<compile_context>
chip_gen: v7x
topology: tpu7x:2x2x1
jax: 0.10.2.dev20260603
libtpu: 0.0.44.dev20260713+nightly
codegen_flags: <defaults>
</compile_context>

<pallas_src>
import functools

import jax
import jax.numpy as jnp
import numpy as np
from jax import lax
from jax.experimental import pallas as pl
from jax.experimental.pallas import tpu as pltpu
from jax.experimental.pallas import tpu_sc as plsc

_RATIO = 0.75
_B, _T, _C = 64, 1024, 768
_KEEP = int(_T * (1 - _RATIO))

_NC, _NS = 2, 16
_NW = _NC * _NS
_ROWS = _B * _KEEP
_RPW = _ROWS // _NW
_CHUNK = 32
_NCHUNK = _RPW // _CHUNK
_NBUF = 4
_DEPTH = 3
_BPW = _B // _NW


def _threefry_core(k1, k2, x0, x1):
    ks = [np.uint32(k1), np.uint32(k2),
          np.uint32(k1) ^ np.uint32(k2) ^ np.uint32(0x1BD11BDA)]
    rotations = [(13, 15, 26, 6), (17, 29, 16, 24)]

    def rotl(v, d):
        return (v << np.uint32(d)) | (v >> np.uint32(32 - d))

    x0 = x0.astype(np.uint32) + ks[0]
    x1 = x1.astype(np.uint32) + ks[1]
    for i in range(5):
        for r in rotations[i % 2]:
            x0 = x0 + x1
            x1 = rotl(x1, r)
            x1 = x0 ^ x1
        x0 = x0 + ks[(i + 1) % 3]
        x1 = x1 + ks[(i + 2) % 3] + np.uint32(i + 1)
    return x0, x1


def _threefry_split(keypair, num):
    r0, r1 = _threefry_core(keypair[0], keypair[1],
                            np.zeros(num, np.uint32),
                            np.arange(num, dtype=np.uint32))
    return np.stack([r0, r1], axis=1)


def _forward_indexes() -> np.ndarray:
    keys = _threefry_split((np.uint32(0), np.uint32(42)), _B)
    fwd = np.zeros((_B, _T), dtype=np.int32)
    for b in range(_B):
        sub = _threefry_split(keys[b], 2)[1]
        r0, r1 = _threefry_core(sub[0], sub[1],
                                np.zeros(_T, np.uint32),
                                np.arange(_T, dtype=np.uint32))
        fwd[b] = np.argsort(r0 ^ r1, kind="stable").astype(np.int32)
    return fwd


_FWD = _forward_indexes()
_BACK = np.argsort(_FWD, axis=1).astype(np.int32)
_GATHER_IDX = (
    np.arange(_B, dtype=np.int32)[:, None] * _T + _FWD[:, :_KEEP]
).reshape(_ROWS)
_CONST = np.concatenate(
    [_GATHER_IDX, _FWD.reshape(_B * _T), _BACK.reshape(_B * _T)])
_FWD_OFF = _ROWS
_BACK_OFF = _ROWS + _B * _T
_CPB = _KEEP // _CHUNK


def _shuffle_body(patches_hbm, const_hbm, out_hbm, fwdo_hbm, backo_hbm,
                  idx_v, buf0, buf1, buf2, buf3, io_v,
                  gsem0, gsem1, gsem2, gsem3, wsem0, wsem1, wsem2, wsem3):
    wid = lax.axis_index("s") * _NC + lax.axis_index("c")
    base = wid * _RPW
    bufs = (buf0, buf1, buf2, buf3)
    gsems = (gsem0, gsem1, gsem2, gsem3)
    wsems = (wsem0, wsem1, wsem2, wsem3)

    def gather(c):
        return pltpu.async_copy(
            patches_hbm.at[idx_v.at[pl.ds(c * _CHUNK, _CHUNK)]],
            bufs[c % _NBUF], gsems[c % _NBUF])

    pltpu.sync_copy(const_hbm.at[pl.ds(base, _RPW)], idx_v)
    gds = {c: gather(c) for c in range(_DEPTH)}

    for r in range(_BPW):
        b = wid * _BPW + r
        pltpu.sync_copy(const_hbm.at[pl.ds(_FWD_OFF + b * _T, _T)], io_v)
        pltpu.sync_copy(io_v, fwdo_hbm.at[b])
        pltpu.sync_copy(const_hbm.at[pl.ds(_BACK_OFF + b * _T, _T)], io_v)
        pltpu.sync_copy(io_v, backo_hbm.at[b])

    wds = {}
    for c in range(_NCHUNK):
        gds[c].wait()
        wds[c] = pltpu.async_copy(
            bufs[c % _NBUF],
            out_hbm.at[wid * _BPW + c // _CPB,
                       pl.ds((c % _CPB) * _CHUNK, _CHUNK)],
            wsems[c % _NBUF])
        n = c + _DEPTH
        if n < _NCHUNK:
            if n >= _NBUF:
                wds[n - _NBUF].wait()
            gds[n] = gather(n)
    for c in range(_NCHUNK - _NBUF, _NCHUNK):
        wds[c].wait()


_shuffle_call = functools.partial(
    pl.kernel,
    out_type=(
        jax.ShapeDtypeStruct((_B, _KEEP, _C), jnp.float32),
        jax.ShapeDtypeStruct((_B, _T), jnp.int32),
        jax.ShapeDtypeStruct((_B, _T), jnp.int32),
    ),
    mesh=plsc.VectorSubcoreMesh(core_axis_name="c", subcore_axis_name="s"),
    scratch_types=(
        pltpu.VMEM((_RPW,), jnp.int32),
        pltpu.VMEM((_CHUNK, _C), jnp.float32),
        pltpu.VMEM((_CHUNK, _C), jnp.float32),
        pltpu.VMEM((_CHUNK, _C), jnp.float32),
        pltpu.VMEM((_CHUNK, _C), jnp.float32),
        pltpu.VMEM((_T,), jnp.int32),
        pltpu.SemaphoreType.DMA,
        pltpu.SemaphoreType.DMA,
        pltpu.SemaphoreType.DMA,
        pltpu.SemaphoreType.DMA,
        pltpu.SemaphoreType.DMA,
        pltpu.SemaphoreType.DMA,
        pltpu.SemaphoreType.DMA,
        pltpu.SemaphoreType.DMA,
    ),
)(_shuffle_body)


def kernel(patches):
    return _shuffle_call(patches.reshape(_B * _T, _C), jnp.asarray(_CONST))

# --- scband reference (transcript-rebuilt; emitter-appended) ---
"""Pipeline reference for scband-patch-shuffle-8924942041913 (READ-ONLY COPY).

The authoritative reference and input builder live on the scoring server;
editing this copy changes nothing except your own understanding.
"""

import jax, jax.numpy as jnp
import numpy as np

RATIO = 0.75

def setup_inputs(seed: int = 0) -> dict:
    key = jax.random.key(seed)
    patches = jax.random.normal(key, (64, 1024, 768), dtype=jnp.float32)
    return {"patches": patches}

def reference(patches):
    batch_size, num_patches, c = patches.shape
    num_remaining_patches = int(num_patches * (1 - RATIO))
    # per-sample random permutation (deterministic key, mirroring np.random.shuffle per batch element)
    base_key = jax.random.key(42)
    keys = jax.random.split(base_key, batch_size)
    forward_indexes = jax.vmap(lambda k: jax.random.permutation(k, num_patches))(keys)  # [B, T] int32
    forward_indexes = forward_indexes.astype(jnp.int64) if jax.config.jax_enable_x64 else forward_indexes
    backward_indexes = jnp.argsort(forward_indexes, axis=1)
    # take_indexes: gather along token dim with index repeated over channel dim
    idx = jnp.broadcast_to(forward_indexes[:, :, None], (batch_size, num_patches, c))
    shuffled_patches = jnp.take_along_axis(patches, idx, axis=1)
    remaining_shuffled_patches = shuffled_patches[:, :num_remaining_patches, :]
    return (remaining_shuffled_patches, forward_indexes, backward_indexes)

if __name__ == "__main__":
    import jax
    _d = setup_inputs()
    print(jax.jit(kernel)(*tuple(_d.values())))

</pallas_src>

<mosaic_0001>
#map = affine_map<(d0, d1) -> (0, 0)>
#map1 = affine_map<(d0, d1) -> (0)>
#map2 = affine_map<(d0, d1) -> (0, 0, 0)>
module attributes {stable_mosaic.version = 14 : i64} {
  func.func @_shuffle_body(%arg0: i32, %arg1: i32, %arg2: memref<65536x768xf32, #tpu.memory_space<hbm>>, %arg3: memref<147456xi32, #tpu.memory_space<hbm>>, %arg4: memref<64x256x768xf32, #tpu.memory_space<hbm>>, %arg5: memref<64x1024xi32, #tpu.memory_space<hbm>>, %arg6: memref<64x1024xi32, #tpu.memory_space<hbm>>, %arg7: memref<512xi32, #tpu.memory_space<vmem>>, %arg8: memref<32x768xf32, #tpu.memory_space<vmem>>, %arg9: memref<32x768xf32, #tpu.memory_space<vmem>>, %arg10: memref<32x768xf32, #tpu.memory_space<vmem>>, %arg11: memref<32x768xf32, #tpu.memory_space<vmem>>, %arg12: memref<1024xi32, #tpu.memory_space<vmem>>, %arg13: memref<!tpu.dma_semaphore, #tpu.memory_space<semaphore_mem>>, %arg14: memref<!tpu.dma_semaphore, #tpu.memory_space<semaphore_mem>>, %arg15: memref<!tpu.dma_semaphore, #tpu.memory_space<semaphore_mem>>, %arg16: memref<!tpu.dma_semaphore, #tpu.memory_space<semaphore_mem>>, %arg17: memref<!tpu.dma_semaphore, #tpu.memory_space<semaphore_mem>>, %arg18: memref<!tpu.dma_semaphore, #tpu.memory_space<semaphore_mem>>, %arg19: memref<!tpu.dma_semaphore, #tpu.memory_space<semaphore_mem>>, %arg20: memref<!tpu.dma_semaphore, #tpu.memory_space<semaphore_mem>>) attributes {dimension_semantics = [#tpu.dimension_semantics<core_parallel>, #tpu.dimension_semantics<subcore_parallel>], iteration_bounds = array<i64: 2, 16>, scalar_prefetch = 0 : i64, scratch_operands = 14 : i64, tpu.core_type = #tpu.core_type<sc_vector_subcore>, window_params = [{transform_indices = #map}, {transform_indices = #map1}, {transform_indices = #map2}, {transform_indices = #map}, {transform_indices = #map}]} {
    %mul3A = arith.constant 2 : i32
    %mul3A_0 = arith.muli %arg1, %mul3A : i32
    %add3A = arith.addi %mul3A_0, %arg0 : i32
    %mul3A_1 = arith.constant 512 : i32
    %mul3A_2 = arith.muli %add3A, %mul3A_1 : i32
    "tpu.region"() ({
      %run_scoped3A = tpu.sem_alloc : memref<!tpu.dma_semaphore, #tpu.memory_space<semaphore_mem>>
      %dma_start3A_505 = tpu.memref_slice %arg3[%mul3A_2] : memref<147456xi32, #tpu.memory_space<hbm>> -> memref<512xi32, #tpu.memory_space<hbm>>
      %dma_start3A_506 = tpu.memref_slice %arg3[%mul3A_2] : memref<147456xi32, #tpu.memory_space<hbm>> -> memref<512xi32, #tpu.memory_space<hbm>>
      tpu.enqueue_dma source(%dma_start3A_506 : memref<512xi32, #tpu.memory_space<hbm>>) target(%arg7 : memref<512xi32, #tpu.memory_space<vmem>>) target_semaphore(%run_scoped3A : memref<!tpu.dma_semaphore, #tpu.memory_space<semaphore_mem>>)
      %dma_wait3A_507 = tpu.memref_slice %arg3[%mul3A_2] : memref<147456xi32, #tpu.memory_space<hbm>> -> memref<512xi32, #tpu.memory_space<hbm>>
      %dma_wait3A_508 = tpu.memref_slice %arg3[%mul3A_2] : memref<147456xi32, #tpu.memory_space<hbm>> -> memref<512xi32, #tpu.memory_space<hbm>>
      tpu.wait_dma2 semaphore(%run_scoped3A : memref<!tpu.dma_semaphore, #tpu.memory_space<semaphore_mem>>) src(%dma_wait3A_508 : memref<512xi32, #tpu.memory_space<hbm>>) dst(%arg7 : memref<512xi32, #tpu.memory_space<vmem>>)
      tpu.yield
    }) : () -> ()
    %dma_start3A = arith.constant 0 : i32
    %dma_start3A_3 = tpu.memref_slice %arg7[%dma_start3A] : memref<512xi32, #tpu.memory_space<vmem>> -> memref<32xi32, #tpu.memory_space<vmem>>
    %dma_start3A_4 = arith.constant 0 : i32
    %dma_start3A_5 = arith.constant 0 : i32
    %dma_start3A_6 = tpu.memref_slice %arg2[%dma_start3A_4, %dma_start3A_5] : memref<65536x768xf32, #tpu.memory_space<hbm>> -> memref<65536x768xf32, #tpu.memory_space<hbm>>
    tpu.enqueue_indirect_dma source(%dma_start3A_6 : memref<65536x768xf32, #tpu.memory_space<hbm>>) target(%arg8 : memref<32x768xf32, #tpu.memory_space<vmem>>) offsets(%dma_start3A_3 : memref<32xi32, #tpu.memory_space<vmem>>) semaphore(%arg13 : memref<!tpu.dma_semaphore, #tpu.memory_space<semaphore_mem>>)
    %dma_start3A_7 = arith.constant 32 : i32
    %dma_start3A_8 = tpu.memref_slice %arg7[%dma_start3A_7] : memref<512xi32, #tpu.memory_space<vmem>> -> memref<32xi32, #tpu.memory_space<vmem>>
    %dma_start3A_9 = arith.constant 0 : i32
    %dma_start3A_10 = arith.constant 0 : i32
    %dma_start3A_11 = tpu.memref_slice %arg2[%dma_start3A_9, %dma_start3A_10] : memref<65536x768xf32, #tpu.memory_space<hbm>> -> memref<65536x768xf32, #tpu.memory_space<hbm>>
    tpu.enqueue_indirect_dma source(%dma_start3A_11 : memref<65536x768xf32, #tpu.memory_space<hbm>>) target(%arg9 : memref<32x768xf32, #tpu.memory_space<vmem>>) offsets(%dma_start3A_8 : memref<32xi32, #tpu.memory_space<vmem>>) semaphore(%arg14 : memref<!tpu.dma_semaphore, #tpu.memory_space<semaphore_mem>>)
    %dma_start3A_12 = arith.constant 64 : i32
    %dma_start3A_13 = tpu.memref_slice %arg7[%dma_start3A_12] : memref<512xi32, #tpu.memory_space<vmem>> -> memref<32xi32, #tpu.memory_space<vmem>>
    %dma_start3A_14 = arith.constant 0 : i32
    %dma_start3A_15 = arith.constant 0 : i32
    %dma_start3A_16 = tpu.memref_slice %arg2[%dma_start3A_14, %dma_start3A_15] : memref<65536x768xf32, #tpu.memory_space<hbm>> -> memref<65536x768xf32, #tpu.memory_space<hbm>>
    tpu.enqueue_indirect_dma source(%dma_start3A_16 : memref<65536x768xf32, #tpu.memory_space<hbm>>) target(%arg10 : memref<32x768xf32, #tpu.memory_space<vmem>>) offsets(%dma_start3A_13 : memref<32xi32, #tpu.memory_space<vmem>>) semaphore(%arg15 : memref<!tpu.dma_semaphore, #tpu.memory_space<semaphore_mem>>)
    %mul3A_17 = arith.constant 2 : i32
    %mul3A_18 = arith.muli %add3A, %mul3A_17 : i32
    %add3A_19 = arith.constant 0 : i32
    %add3A_20 = arith.addi %mul3A_18, %add3A_19 : i32
    %mul3A_21 = arith.constant 1024 : i32
    %mul3A_22 = arith.muli %add3A_20, %mul3A_21 : i32
    %add3A_23 = arith.constant 16384 : i32
    %add3A_24 = arith.addi %add3A_23, %mul3A_22 : i32
    "tpu.region"() ({
      %run_scoped3A = tpu.sem_alloc : memref<!tpu.dma_semaphore, #tpu.memory_space<semaphore_mem>>
      %dma_start3A_505 = tpu.memref_slice %arg3[%add3A_24] : memref<147456xi32, #tpu.memory_space<hbm>> -> memref<1024xi32, #tpu.memory_space<hbm>>
      %dma_start3A_506 = tpu.memref_slice %arg3[%add3A_24] : memref<147456xi32, #tpu.memory_space<hbm>> -> memref<1024xi32, #tpu.memory_space<hbm>>
      tpu.enqueue_dma source(%dma_start3A_506 : memref<1024xi32, #tpu.memory_space<hbm>>) target(%arg12 : memref<1024xi32, #tpu.memory_space<vmem>>) target_semaphore(%run_scoped3A : memref<!tpu.dma_semaphore, #tpu.memory_space<semaphore_mem>>)
      %dma_wait3A_507 = tpu.memref_slice %arg3[%add3A_24] : memref<147456xi32, #tpu.memory_space<hbm>> -> memref<1024xi32, #tpu.memory_space<hbm>>
      %dma_wait3A_508 = tpu.memref_slice %arg3[%add3A_24] : memref<147456xi32, #tpu.memory_space<hbm>> -> memref<1024xi32, #tpu.memory_space<hbm>>
      tpu.wait_dma2 semaphore(%run_scoped3A : memref<!tpu.dma_semaphore, #tpu.memory_space<semaphore_mem>>) src(%dma_wait3A_508 : memref<1024xi32, #tpu.memory_space<hbm>>) dst(%arg12 : memref<1024xi32, #tpu.memory_space<vmem>>)
      tpu.yield
    }) : () -> ()
    "tpu.region"() ({
      %run_scoped3A = tpu.sem_alloc : memref<!tpu.dma_semaphore, #tpu.memory_space<semaphore_mem>>
      %dma_start3A_505 = arith.constant 0 : i32
      %dma_start3A_506 = tpu.memref_slice %arg5[%add3A_20, %dma_start3A_505] : memref<64x1024xi32, #tpu.memory_space<hbm>> -> memref<1x1024xi32, #tpu.memory_space<hbm>>
      %dma_start3A_507 = tpu.memref_squeeze %dma_start3A_506 : memref<1x1024xi32, #tpu.memory_space<hbm>> -> memref<1024xi32, #tpu.memory_space<hbm>>
      %dma_start3A_508 = arith.constant 0 : i32
      %dma_start3A_509 = tpu.memref_slice %arg5[%add3A_20, %dma_start3A_508] : memref<64x1024xi32, #tpu.memory_space<hbm>> -> memref<1x1024xi32, #tpu.memory_space<hbm>>
      %dma_start3A_510 = tpu.memref_squeeze %dma_start3A_509 : memref<1x1024xi32, #tpu.memory_space<hbm>> -> memref<1024xi32, #tpu.memory_space<hbm>>
      tpu.enqueue_dma source(%arg12 : memref<1024xi32, #tpu.memory_space<vmem>>) target(%dma_start3A_510 : memref<1024xi32, #tpu.memory_space<hbm>>) target_semaphore(%run_scoped3A : memref<!tpu.dma_semaphore, #tpu.memory_space<semaphore_mem>>)
      %dma_wait3A_511 = arith.constant 0 : i32
      %dma_wait3A_512 = tpu.memref_slice %arg5[%add3A_20, %dma_wait3A_511] : memref<64x1024xi32, #tpu.memory_space<hbm>> -> memref<1x1024xi32, #tpu.memory_space<hbm>>
      %dma_wait3A_513 = tpu.memref_squeeze %dma_wait3A_512 : memref<1x1024xi32, #tpu.memory_space<hbm>> -> memref<1024xi32, #tpu.memory_space<hbm>>
      %dma_wait3A_514 = arith.constant 0 : i32
      %dma_wait3A_515 = tpu.memref_slice %arg5[%add3A_20, %dma_wait3A_514] : memref<64x1024xi32, #tpu.memory_space<hbm>> -> memref<1x1024xi32, #tpu.memory_space<hbm>>
      %dma_wait3A_516 = tpu.memref_squeeze %dma_wait3A_515 : memref<1x1024xi32, #tpu.memory_space<hbm>> -> memref<1024xi32, #tpu.memory_space<hbm>>
      tpu.wait_dma2 semaphore(%run_scoped3A : memref<!tpu.dma_semaphore, #tpu.memory_space<semaphore_mem>>) src(%arg12 : memref<1024xi32, #tpu.memory_space<vmem>>) dst(%dma_wait3A_516 : memref<1024xi32, #tpu.memory_space<hbm>>)
      tpu.yield
    }) : () -> ()
    %mul3A_25 = arith.constant 1024 : i32
    %mul3A_26 = arith.muli %add3A_20, %mul3A_25 : i32
    %add3A_27 = arith.constant 81920 : i32
    %add3A_28 = arith.addi %add3A_27, %mul3A_26 : i32
    "tpu.region"() ({
      %run_scoped3A = tpu.sem_alloc : memref<!tpu.dma_semaphore, #tpu.memory_space<semaphore_mem>>
      %dma_start3A_505 = tpu.memref_slice %arg3[%add3A_28] : memref<147456xi32, #tpu.memory_space<hbm>> -> memref<1024xi32, #tpu.memory_space<hbm>>
      %dma_start3A_506 = tpu.memref_slice %arg3[%add3A_28] : memref<147456xi32, #tpu.memory_space<hbm>> -> memref<1024xi32, #tpu.memory_space<hbm>>
      tpu.enqueue_dma source(%dma_start3A_506 : memref<1024xi32, #tpu.memory_space<hbm>>) target(%arg12 : memref<1024xi32, #tpu.memory_space<vmem>>) target_semaphore(%run_scoped3A : memref<!tpu.dma_semaphore, #tpu.memory_space<semaphore_mem>>)
      %dma_wait3A_507 = tpu.memref_slice %arg3[%add3A_28] : memref<147456xi32, #tpu.memory_space<hbm>> -> memref<1024xi32, #tpu.memory_space<hbm>>
      %dma_wait3A_508 = tpu.memref_slice %arg3[%add3A_28] : memref<147456xi32, #tpu.memory_space<hbm>> -> memref<1024xi32, #tpu.memory_space<hbm>>
      tpu.wait_dma2 semaphore(%run_scoped3A : memref<!tpu.dma_semaphore, #tpu.memory_space<semaphore_mem>>) src(%dma_wait3A_508 : memref<1024xi32, #tpu.memory_space<hbm>>) dst(%arg12 : memref<1024xi32, #tpu.memory_space<vmem>>)
      tpu.yield
    }) : () -> ()
    "tpu.region"() ({
      %run_scoped3A = tpu.sem_alloc : memref<!tpu.dma_semaphore, #tpu.memory_space<semaphore_mem>>
      %dma_start3A_505 = arith.constant 0 : i32
      %dma_start3A_506 = tpu.memref_slice %arg6[%add3A_20, %dma_start3A_505] : memref<64x1024xi32, #tpu.memory_space<hbm>> -> memref<1x1024xi32, #tpu.memory_space<hbm>>
      %dma_start3A_507 = tpu.memref_squeeze %dma_start3A_506 : memref<1x1024xi32, #tpu.memory_space<hbm>> -> memref<1024xi32, #tpu.memory_space<hbm>>
      %dma_start3A_508 = arith.constant 0 : i32
      %dma_start3A_509 = tpu.memref_slice %arg6[%add3A_20, %dma_start3A_508] : memref<64x1024xi32, #tpu.memory_space<hbm>> -> memref<1x1024xi32, #tpu.memory_space<hbm>>
      %dma_start3A_510 = tpu.memref_squeeze %dma_start3A_509 : memref<1x1024xi32, #tpu.memory_space<hbm>> -> memref<1024xi32, #tpu.memory_space<hbm>>
      tpu.enqueue_dma source(%arg12 : memref<1024xi32, #tpu.memory_space<vmem>>) target(%dma_start3A_510 : memref<1024xi32, #tpu.memory_space<hbm>>) target_semaphore(%run_scoped3A : memref<!tpu.dma_semaphore, #tpu.memory_space<semaphore_mem>>)
      %dma_wait3A_511 = arith.constant 0 : i32
      %dma_wait3A_512 = tpu.memref_slice %arg6[%add3A_20, %dma_wait3A_511] : memref<64x1024xi32, #tpu.memory_space<hbm>> -> memref<1x1024xi32, #tpu.memory_space<hbm>>
      %dma_wait3A_513 = tpu.memref_squeeze %dma_wait3A_512 : memref<1x1024xi32, #tpu.memory_space<hbm>> -> memref<1024xi32, #tpu.memory_space<hbm>>
      %dma_wait3A_514 = arith.constant 0 : i32
      %dma_wait3A_515 = tpu.memref_slice %arg6[%add3A_20, %dma_wait3A_514] : memref<64x1024xi32, #tpu.memory_space<hbm>> -> memref<1x1024xi32, #tpu.memory_space<hbm>>
      %dma_wait3A_516 = tpu.memref_squeeze %dma_wait3A_515 : memref<1x1024xi32, #tpu.memory_space<hbm>> -> memref<1024xi32, #tpu.memory_space<hbm>>
      tpu.wait_dma2 semaphore(%run_scoped3A : memref<!tpu.dma_semaphore, #tpu.memory_space<semaphore_mem>>) src(%arg12 : memref<1024xi32, #tpu.memory_space<vmem>>) dst(%dma_wait3A_516 : memref<1024xi32, #tpu.memory_space<hbm>>)
      tpu.yield
    }) : () -> ()
    %mul3A_29 = arith.constant 2 : i32
    %mul3A_30 = arith.muli %add3A, %mul3A_29 : i32
    %add3A_31 = arith.constant 1 : i32
    %add3A_32 = arith.addi %mul3A_30, %add3A_31 : i32
    %mul3A_33 = arith.constant 1024 : i32
    %mul3A_34 = arith.muli %add3A_32, %mul3A_33 : i32
    %add3A_35 = arith.constant 16384 : i32
    %add3A_36 = arith.addi %add3A_35, %mul3A_34 : i32
    "tpu.region"() ({
      %run_scoped3A = tpu.sem_alloc : memref<!tpu.dma_semaphore, #tpu.memory_space<semaphore_mem>>
      %dma_start3A_505 = tpu.memref_slice %arg3[%add3A_36] : memref<147456xi32, #tpu.memory_space<hbm>> -> memref<1024xi32, #tpu.memory_space<hbm>>
      %dma_start3A_506 = tpu.memref_slice %arg3[%add3A_36] : memref<147456xi32, #tpu.memory_space<hbm>> -> memref<1024xi32, #tpu.memory_space<hbm>>
      tpu.enqueue_dma source(%dma_start3A_506 : memref<1024xi32, #tpu.memory_space<hbm>>) target(%arg12 : memref<1024xi32, #tpu.memory_space<vmem>>) target_semaphore(%run_scoped3A : memref<!tpu.dma_semaphore, #tpu.memory_space<semaphore_mem>>)
      %dma_wait3A_507 = tpu.memref_slice %arg3[%add3A_36] : memref<147456xi32, #tpu.memory_space<hbm>> -> memref<1024xi32, #tpu.memory_space<hbm>>
      %dma_wait3A_508 = tpu.memref_slice %arg3[%add3A_36] : memref<147456xi32, #tpu.memory_space<hbm>> -> memref<1024xi32, #tpu.memory_space<hbm>>
      tpu.wait_dma2 semaphore(%run_scoped3A : memref<!tpu.dma_semaphore, #tpu.memory_space<semaphore_mem>>) src(%dma_wait3A_508 : memref<1024xi32, #tpu.memory_space<hbm>>) dst(%arg12 : memref<1024xi32, #tpu.memory_space<vmem>>)
      tpu.yield
    }) : () -> ()
    "tpu.region"() ({
      %run_scoped3A = tpu.sem_alloc : memref<!tpu.dma_semaphore, #tpu.memory_space<semaphore_mem>>
      %dma_start3A_505 = arith.constant 0 : i32
      %dma_start3A_506 = tpu.memref_slice %arg5[%add3A_32, %dma_start3A_505] : memref<64x1024xi32, #tpu.memory_space<hbm>> -> memref<1x1024xi32, #tpu.memory_space<hbm>>
      %dma_start3A_507 = tpu.memref_squeeze %dma_start3A_506 : memref<1x1024xi32, #tpu.memory_space<hbm>> -> memref<1024xi32, #tpu.memory_space<hbm>>
      %dma_start3A_508 = arith.constant 0 : i32
      %dma_start3A_509 = tpu.memref_slice %arg5[%add3A_32, %dma_start3A_508] : memref<64x1024xi32, #tpu.memory_space<hbm>> -> memref<1x1024xi32, #tpu.memory_space<hbm>>
      %dma_start3A_510 = tpu.memref_squeeze %dma_start3A_509 : memref<1x1024xi32, #tpu.memory_space<hbm>> -> memref<1024xi32, #tpu.memory_space<hbm>>
      tpu.enqueue_dma source(%arg12 : memref<1024xi32, #tpu.memory_space<vmem>>) target(%dma_start3A_510 : memref<1024xi32, #tpu.memory_space<hbm>>) target_semaphore(%run_scoped3A : memref<!tpu.dma_semaphore, #tpu.memory_space<semaphore_mem>>)
      %dma_wait3A_511 = arith.constant 0 : i32
      %dma_wait3A_512 = tpu.memref_slice %arg5[%add3A_32, %dma_wait3A_511] : memref<64x1024xi32, #tpu.memory_space<hbm>> -> memref<1x1024xi32, #tpu.memory_space<hbm>>
      %dma_wait3A_513 = tpu.memref_squeeze %dma_wait3A_512 : memref<1x1024xi32, #tpu.memory_space<hbm>> -> memref<1024xi32, #tpu.memory_space<hbm>>
      %dma_wait3A_514 = arith.constant 0 : i32
      %dma_wait3A_515 = tpu.memref_slice %arg5[%add3A_32, %dma_wait3A_514] : memref<64x1024xi32, #tpu.memory_space<hbm>> -> memref<1x1024xi32, #tpu.memory_space<hbm>>
      %dma_wait3A_516 = tpu.memref_squeeze %dma_wait3A_515 : memref<1x1024xi32, #tpu.memory_space<hbm>> -> memref<1024xi32, #tpu.memory_space<hbm>>
      tpu.wait_dma2 semaphore(%run_scoped3A : memref<!tpu.dma_semaphore, #tpu.memory_space<semaphore_mem>>) src(%arg12 : memref<1024xi32, #tpu.memory_space<vmem>>) dst(%dma_wait3A_516 : memref<1024xi32, #tpu.memory_space<hbm>>)
      tpu.yield
    }) : () -> ()
    %mul3A_37 = arith.constant 1024 : i32
    %mul3A_38 = arith.muli %add3A_32, %mul3A_37 : i32
    %add3A_39 = arith.constant 81920 : i32
    %add3A_40 = arith.addi %add3A_39, %mul3A_38 : i32
    "tpu.region"() ({
      %run_scoped3A = tpu.sem_alloc : memref<!tpu.dma_semaphore, #tpu.memory_space<semaphore_mem>>
      %dma_start3A_505 = tpu.memref_slice %arg3[%add3A_40] : memref<147456xi32, #tpu.memory_space<hbm>> -> memref<1024xi32, #tpu.memory_space<hbm>>
      %dma_start3A_506 = tpu.memref_slice %arg3[%add3A_40] : memref<147456xi32, #tpu.memory_space<hbm>> -> memref<1024xi32, #tpu.memory_space<hbm>>
      tpu.enqueue_dma source(%dma_start3A_506 : memref<1024xi32, #tpu.memory_space<hbm>>) target(%arg12 : memref<1024xi32, #tpu.memory_space<vmem>>) target_semaphore(%run_scoped3A : memref<!tpu.dma_semaphore, #tpu.memory_space<semaphore_mem>>)
      %dma_wait3A_507 = tpu.memref_slice %arg3[%add3A_40] : memref<147456xi32, #tpu.memory_space<hbm>> -> memref<1024xi32, #tpu.memory_space<hbm>>
      %dma_wait3A_508 = tpu.memref_slice %arg3[%add3A_40] : memref<147456xi32, #tpu.memory_space<hbm>> -> memref<1024xi32, #tpu.memory_space<hbm>>
      tpu.wait_dma2 semaphore(%run_scoped3A : memref<!tpu.dma_semaphore, #tpu.memory_space<semaphore_mem>>) src(%dma_wait3A_508 : memref<1024xi32, #tpu.memory_space<hbm>>) dst(%arg12 : memref<1024xi32, #tpu.memory_space<vmem>>)
      tpu.yield
    }) : () -> ()
    "tpu.region"() ({
      %run_scoped3A = tpu.sem_alloc : memref<!tpu.dma_semaphore, #tpu.memory_space<semaphore_mem>>
      %dma_start3A_505 = arith.constant 0 : i32
      %dma_start3A_506 = tpu.memref_slice %arg6[%add3A_32, %dma_start3A_505] : memref<64x1024xi32, #tpu.memory_space<hbm>> -> memref<1x1024xi32, #tpu.memory_space<hbm>>
      %dma_start3A_507 = tpu.memref_squeeze %dma_start3A_506 : memref<1x1024xi32, #tpu.memory_space<hbm>> -> memref<1024xi32, #tpu.memory_space<hbm>>
      %dma_start3A_508 = arith.constant 0 : i32
      %dma_start3A_509 = tpu.memref_slice %arg6[%add3A_32, %dma_start3A_508] : memref<64x1024xi32, #tpu.memory_space<hbm>> -> memref<1x1024xi32, #tpu.memory_space<hbm>>
      %dma_start3A_510 = tpu.memref_squeeze %dma_start3A_509 : memref<1x1024xi32, #tpu.memory_space<hbm>> -> memref<1024xi32, #tpu.memory_space<hbm>>
      tpu.enqueue_dma source(%arg12 : memref<1024xi32, #tpu.memory_space<vmem>>) target(%dma_start3A_510 : memref<1024xi32, #tpu.memory_space<hbm>>) target_semaphore(%run_scoped3A : memref<!tpu.dma_semaphore, #tpu.memory_space<semaphore_mem>>)
      %dma_wait3A_511 = arith.constant 0 : i32
      %dma_wait3A_512 = tpu.memref_slice %arg6[%add3A_32, %dma_wait3A_511] : memref<64x1024xi32, #tpu.memory_space<hbm>> -> memref<1x1024xi32, #tpu.memory_space<hbm>>
      %dma_wait3A_513 = tpu.memref_squeeze %dma_wait3A_512 : memref<1x1024xi32, #tpu.memory_space<hbm>> -> memref<1024xi32, #tpu.memory_space<hbm>>
      %dma_wait3A_514 = arith.constant 0 : i32
      %dma_wait3A_515 = tpu.memref_slice %arg6[%add3A_32, %dma_wait3A_514] : memref<64x1024xi32, #tpu.memory_space<hbm>> -> memref<1x1024xi32, #tpu.memory_space<hbm>>
      %dma_wait3A_516 = tpu.memref_squeeze %dma_wait3A_515 : memref<1x1024xi32, #tpu.memory_space<hbm>> -> memref<1024xi32, #tpu.memory_space<hbm>>
      tpu.wait_dma2 semaphore(%run_scoped3A : memref<!tpu.dma_semaphore, #tpu.memory_space<semaphore_mem>>) src(%arg12 : memref<1024xi32, #tpu.memory_space<vmem>>) dst(%dma_wait3A_516 : memref<1024xi32, #tpu.memory_space<hbm>>)
      tpu.yield
    }) : () -> ()
    %dma_wait3A = arith.constant 0 : i32
    %dma_wait3A_41 = tpu.memref_slice %arg7[%dma_wait3A] : memref<512xi32, #tpu.memory_space<vmem>> -> memref<32xi32, #tpu.memory_space<vmem>>
    %dma_wait3A_42 = arith.constant 0 : i32
    %dma_wait3A_43 = arith.constant 0 : i32
    %dma_wait3A_44 = tpu.memref_slice %arg2[%dma_wait3A_42, %dma_wait3A_43] : memref<65536x768xf32, #tpu.memory_space<hbm>> -> memref<65536x768xf32, #tpu.memory_space<hbm>>
    tpu.wait_indirect_dma semaphore(%arg13 : memref<!tpu.dma_semaphore, #tpu.memory_space<semaphore_mem>>) src(%dma_wait3A_44 : memref<65536x768xf32, #tpu.memory_space<hbm>>) dst(%arg8 : memref<32x768xf32, #tpu.memory_space<vmem>>)
    %mul3A_45 = arith.constant 2 : i32
    %mul3A_46 = arith.muli %add3A, %mul3A_45 : i32
    %add3A_47 = arith.constant 0 : i32
    %add3A_48 = arith.addi %mul3A_46, %add3A_47 : i32
    %dma_start3A_49 = arith.constant 0 : i32
    %dma_start3A_50 = arith.constant 0 : i32
    %dma_start3A_51 = tpu.memref_slice %arg4[%add3A_48, %dma_start3A_49, %dma_start3A_50] : memref<64x256x768xf32, #tpu.memory_space<hbm>> -> memref<1x32x768xf32, #tpu.memory_space<hbm>>
    %dma_start3A_52 = tpu.memref_squeeze %dma_start3A_51 : memref<1x32x768xf32, #tpu.memory_space<hbm>> -> memref<32x768xf32, #tpu.memory_space<hbm>>
    %dma_start3A_53 = arith.constant 0 : i32
    %dma_start3A_54 = arith.constant 0 : i32
    %dma_start3A_55 = tpu.memref_slice %arg4[%add3A_48, %dma_start3A_53, %dma_start3A_54] : memref<64x256x768xf32, #tpu.memory_space<hbm>> -> memref<1x32x768xf32, #tpu.memory_space<hbm>>
    %dma_start3A_56 = tpu.memref_squeeze %dma_start3A_55 : memref<1x32x768xf32, #tpu.memory_space<hbm>> -> memref<32x768xf32, #tpu.memory_space<hbm>>
    tpu.enqueue_dma source(%arg8 : memref<32x768xf32, #tpu.memory_space<vmem>>) target(%dma_start3A_56 : memref<32x768xf32, #tpu.memory_space<hbm>>) target_semaphore(%arg17 : memref<!tpu.dma_semaphore, #tpu.memory_space<semaphore_mem>>)
    %dma_start3A_57 = arith.constant 96 : i32
    %dma_start3A_58 = tpu.memref_slice %arg7[%dma_start3A_57] : memref<512xi32, #tpu.memory_space<vmem>> -> memref<32xi32, #tpu.memory_space<vmem>>
    %dma_start3A_59 = arith.constant 0 : i32
    %dma_start3A_60 = arith.constant 0 : i32
    %dma_start3A_61 = tpu.memref_slice %arg2[%dma_start3A_59, %dma_start3A_60] : memref<65536x768xf32, #tpu.memory_space<hbm>> -> memref<65536x768xf32, #tpu.memory_space<hbm>>
    tpu.enqueue_indirect_dma source(%dma_start3A_61 : memref<65536x768xf32, #tpu.memory_space<hbm>>) target(%arg11 : memref<32x768xf32, #tpu.memory_space<vmem>>) offsets(%dma_start3A_58 : memref<32xi32, #tpu.memory_space<vmem>>) semaphore(%arg16 : memref<!tpu.dma_semaphore, #tpu.memory_space<semaphore_mem>>)
    %dma_wait3A_62 = arith.constant 32 : i32
    %dma_wait3A_63 = tpu.memref_slice %arg7[%dma_wait3A_62] : memref<512xi32, #tpu.memory_space<vmem>> -> memref<32xi32, #tpu.memory_space<vmem>>
    %dma_wait3A_64 = arith.constant 0 : i32
    %dma_wait3A_65 = arith.constant 0 : i32
    %dma_wait3A_66 = tpu.memref_slice %arg2[%dma_wait3A_64, %dma_wait3A_65] : memref<65536x768xf32, #tpu.memory_space<hbm>> -> memref<65536x768xf32, #tpu.memory_space<hbm>>
    tpu.wait_indirect_dma semaphore(%arg14 : memref<!tpu.dma_semaphore, #tpu.memory_space<semaphore_mem>>) src(%dma_wait3A_66 : memref<65536x768xf32, #tpu.memory_space<hbm>>) dst(%arg9 : memref<32x768xf32, #tpu.memory_space<vmem>>)
    %mul3A_67 = arith.constant 2 : i32
    %mul3A_68 = arith.muli %add3A, %mul3A_67 : i32
    %add3A_69 = arith.constant 0 : i32
    %add3A_70 = arith.addi %mul3A_68, %add3A_69 : i32
    %dma_start3A_71 = arith.constant 32 : i32
    %dma_start3A_72 = arith.constant 0 : i32
    %dma_start3A_73 = tpu.memref_slice %arg4[%add3A_70, %dma_start3A_71, %dma_start3A_72] : memref<64x256x768xf32, #tpu.memory_space<hbm>> -> memref<1x32x768xf32, #tpu.memory_space<hbm>>
    %dma_start3A_74 = tpu.memref_squeeze %dma_start3A_73 : memref<1x32x768xf32, #tpu.memory_space<hbm>> -> memref<32x768xf32, #tpu.memory_space<hbm>>
    %dma_start3A_75 = arith.constant 32 : i32
    %dma_start3A_76 = arith.constant 0 : i32
    %dma_start3A_77 = tpu.memref_slice %arg4[%add3A_70, %dma_start3A_75, %dma_start3A_76] : memref<64x256x768xf32, #tpu.memory_space<hbm>> -> memref<1x32x768xf32, #tpu.memory_space<hbm>>
    %dma_start3A_78 = tpu.memref_squeeze %dma_start3A_77 : memref<1x32x768xf32, #tpu.memory_space<hbm>> -> memref<32x768xf32, #tpu.memory_space<hbm>>
    tpu.enqueue_dma source(%arg9 : memref<32x768xf32, #tpu.memory_space<vmem>>) target(%dma_start3A_78 : memref<32x768xf32, #tpu.memory_space<hbm>>) target_semaphore(%arg18 : memref<!tpu.dma_semaphore, #tpu.memory_space<semaphore_mem>>)
    %dma_wait3A_79 = arith.constant 0 : i32
    %dma_wait3A_80 = arith.constant 0 : i32
    %dma_wait3A_81 = tpu.memref_slice %arg4[%add3A_48, %dma_wait3A_79, %dma_wait3A_80] : memref<64x256x768xf32, #tpu.memory_space<hbm>> -> memref<1x32x768xf32, #tpu.memory_space<hbm>>
    %dma_wait3A_82 = tpu.memref_squeeze %dma_wait3A_81 : memref<1x32x768xf32, #tpu.memory_space<hbm>> -> memref<32x768xf32, #tpu.memory_space<hbm>>
    %dma_wait3A_83 = arith.constant 0 : i32
    %dma_wait3A_84 = arith.constant 0 : i32
    %dma_wait3A_85 = tpu.memref_slice %arg4[%add3A_48, %dma_wait3A_83, %dma_wait3A_84] : memref<64x256x768xf32, #tpu.memory_space<hbm>> -> memref<1x32x768xf32, #tpu.memory_space<hbm>>
    %dma_wait3A_86 = tpu.memref_squeeze %dma_wait3A_85 : memref<1x32x768xf32, #tpu.memory_space<hbm>> -> memref<32x768xf32, #tpu.memory_space<hbm>>
    tpu.wait_dma2 semaphore(%arg17 : memref<!tpu.dma_semaphore, #tpu.memory_space<semaphore_mem>>) src(%arg8 : memref<32x768xf32, #tpu.memory_space<vmem>>) dst(%dma_wait3A_86 : memref<32x768xf32, #tpu.memory_space<hbm>>)
    %dma_start3A_87 = arith.constant 128 : i32
    %dma_start3A_88 = tpu.memref_slice %arg7[%dma_start3A_87] : memref<512xi32, #tpu.memory_space<vmem>> -> memref<32xi32, #tpu.memory_space<vmem>>
    %dma_start3A_89 = arith.constant 0 : i32
    %dma_start3A_90 = arith.constant 0 : i32
    %dma_start3A_91 = tpu.memref_slice %arg2[%dma_start3A_89, %dma_start3A_90] : memref<65536x768xf32, #tpu.memory_space<hbm>> -> memref<65536x768xf32, #tpu.memory_space<hbm>>
    tpu.enqueue_indirect_dma source(%dma_start3A_91 : memref<65536x768xf32, #tpu.memory_space<hbm>>) target(%arg8 : memref<32x768xf32, #tpu.memory_space<vmem>>) offsets(%dma_start3A_88 : memref<32xi32, #tpu.memory_space<vmem>>) semaphore(%arg13 : memref<!tpu.dma_semaphore, #tpu.memory_space<semaphore_mem>>)
    %dma_wait3A_92 = arith.constant 64 : i32
    %dma_wait3A_93 = tpu.memref_slice %arg7[%dma_wait3A_92] : memref<512xi32, #tpu.memory_space<vmem>> -> memref<32xi32, #tpu.memory_space<vmem>>
    %dma_wait3A_94 = arith.constant 0 : i32
    %dma_wait3A_95 = arith.constant 0 : i32
    %dma_wait3A_96 = tpu.memref_slice %arg2[%dma_wait3A_94, %dma_wait3A_95] : memref<65536x768xf32, #tpu.memory_space<hbm>> -> memref<65536x768xf32, #tpu.memory_space<hbm>>
    tpu.wait_indirect_dma semaphore(%arg15 : memref<!tpu.dma_semaphore, #tpu.memory_space<semaphore_mem>>) src(%dma_wait3A_96 : memref<65536x768xf32, #tpu.memory_space<hbm>>) dst(%arg10 : memref<32x768xf32, #tpu.memory_space<vmem>>)
    %mul3A_97 = arith.constant 2 : i32
    %mul3A_98 = arith.muli %add3A, %mul3A_97 : i32
    %add3A_99 = arith.constant 0 : i32
    %add3A_100 = arith.addi %mul3A_98, %add3A_99 : i32
    %dma_start3A_101 = arith.constant 64 : i32
    %dma_start3A_102 = arith.constant 0 : i32
    %dma_start3A_103 = tpu.memref_slice %arg4[%add3A_100, %dma_start3A_101, %dma_start3A_102] : memref<64x256x768xf32, #tpu.memory_space<hbm>> -> memref<1x32x768xf32, #tpu.memory_space<hbm>>
    %dma_start3A_104 = tpu.memref_squeeze %dma_start3A_103 : memref<1x32x768xf32, #tpu.memory_space<hbm>> -> memref<32x768xf32, #tpu.memory_space<hbm>>
    %dma_start3A_105 = arith.constant 64 : i32
    %dma_start3A_106 = arith.constant 0 : i32
    %dma_start3A_107 = tpu.memref_slice %arg4[%add3A_100, %dma_start3A_105, %dma_start3A_106] : memref<64x256x768xf32, #tpu.memory_space<hbm>> -> memref<1x32x768xf32, #tpu.memory_space<hbm>>
    %dma_start3A_108 = tpu.memref_squeeze %dma_start3A_107 : memref<1x32x768xf32, #tpu.memory_space<hbm>> -> memref<32x768xf32, #tpu.memory_space<hbm>>
    tpu.enqueue_dma source(%arg10 : memref<32x768xf32, #tpu.memory_space<vmem>>) target(%dma_start3A_108 : memref<32x768xf32, #tpu.memory_space<hbm>>) target_semaphore(%arg19 : memref<!tpu.dma_semaphore, #tpu.memory_space<semaphore_mem>>)
    %dma_wait3A_109 = arith.constant 32 : i32
    %dma_wait3A_110 = arith.constant 0 : i32
    %dma_wait3A_111 = tpu.memref_slice %arg4[%add3A_70, %dma_wait3A_109, %dma_wait3A_110] : memref<64x256x768xf32, #tpu.memory_space<hbm>> -> memref<1x32x768xf32, #tpu.memory_space<hbm>>
    %dma_wait3A_112 = tpu.memref_squeeze %dma_wait3A_111 : memref<1x32x768xf32, #tpu.memory_space<hbm>> -> memref<32x768xf32, #tpu.memory_space<hbm>>
    %dma_wait3A_113 = arith.constant 32 : i32
    %dma_wait3A_114 = arith.constant 0 : i32
    %dma_wait3A_115 = tpu.memref_slice %arg4[%add3A_70, %dma_wait3A_113, %dma_wait3A_114] : memref<64x256x768xf32, #tpu.memory_space<hbm>> -> memref<1x32x768xf32, #tpu.memory_space<hbm>>
    %dma_wait3A_116 = tpu.memref_squeeze %dma_wait3A_115 : memref<1x32x768xf32, #tpu.memory_space<hbm>> -> memref<32x768xf32, #tpu.memory_space<hbm>>
    tpu.wait_dma2 semaphore(%arg18 : memref<!tpu.dma_semaphore, #tpu.memory_space<semaphore_mem>>) src(%arg9 : memref<32x768xf32, #tpu.memory_space<vmem>>) dst(%dma_wait3A_116 : memref<32x768xf32, #tpu.memory_space<hbm>>)
    %dma_start3A_117 = arith.constant 160 : i32
    %dma_start3A_118 = tpu.memref_slice %arg7[%dma_start3A_117] : memref<512xi32, #tpu.memory_space<vmem>> -> memref<32xi32, #tpu.memory_space<vmem>>
    %dma_start3A_119 = arith.constant 0 : i32
    %dma_start3A_120 = arith.constant 0 : i32
    %dma_start3A_121 = tpu.memref_slice %arg2[%dma_start3A_119, %dma_start3A_120] : memref<65536x768xf32, #tpu.memory_space<hbm>> -> memref<65536x768xf32, #tpu.memory_space<hbm>>
    tpu.enqueue_indirect_dma source(%dma_start3A_121 : memref<65536x768xf32, #tpu.memory_space<hbm>>) target(%arg9 : memref<32x768xf32, #tpu.memory_space<vmem>>) offsets(%dma_start3A_118 : memref<32xi32, #tpu.memory_space<vmem>>) semaphore(%arg14 : memref<!tpu.dma_semaphore, #tpu.memory_space<semaphore_mem>>)
    %dma_wait3A_122 = arith.constant 96 : i32
    %dma_wait3A_123 = tpu.memref_slice %arg7[%dma_wait3A_122] : memref<512xi32, #tpu.memory_space<vmem>> -> memref<32xi32, #tpu.memory_space<vmem>>
    %dma_wait3A_124 = arith.constant 0 : i32
    %dma_wait3A_125 = arith.constant 0 : i32
    %dma_wait3A_126 = tpu.memref_slice %arg2[%dma_wait3A_124, %dma_wait3A_125] : memref<65536x768xf32, #tpu.memory_space<hbm>> -> memref<65536x768xf32, #tpu.memory_space<hbm>>
    tpu.wait_indirect_dma semaphore(%arg16 : memref<!tpu.dma_semaphore, #tpu.memory_space<semaphore_mem>>) src(%dma_wait3A_126 : memref<65536x768xf32, #tpu.memory_space<hbm>>) dst(%arg11 : memref<32x768xf32, #tpu.memory_space<vmem>>)
    %mul3A_127 = arith.constant 2 : i32
    %mul3A_128 = arith.muli %add3A, %mul3A_127 : i32
    %add3A_129 = arith.constant 0 : i32
    %add3A_130 = arith.addi %mul3A_128, %add3A_129 : i32
    %dma_start3A_131 = arith.constant 96 : i32
    %dma_start3A_132 = arith.constant 0 : i32
    %dma_start3A_133 = tpu.memref_slice %arg4[%add3A_130, %dma_start3A_131, %dma_start3A_132] : memref<64x256x768xf32, #tpu.memory_space<hbm>> -> memref<1x32x768xf32, #tpu.memory_space<hbm>>
    %dma_start3A_134 = tpu.memref_squeeze %dma_start3A_133 : memref<1x32x768xf32, #tpu.memory_space<hbm>> -> memref<32x768xf32, #tpu.memory_space<hbm>>
    %dma_start3A_135 = arith.constant 96 : i32
    %dma_start3A_136 = arith.constant 0 : i32
    %dma_start3A_137 = tpu.memref_slice %arg4[%add3A_130, %dma_start3A_135, %dma_start3A_136] : memref<64x256x768xf32, #tpu.memory_space<hbm>> -> memref<1x32x768xf32, #tpu.memory_space<hbm>>
    %dma_start3A_138 = tpu.memref_squeeze %dma_start3A_137 : memref<1x32x768xf32, #tpu.memory_space<hbm>> -> memref<32x768xf32, #tpu.memory_space<hbm>>
    tpu.enqueue_dma source(%arg11 : memref<32x768xf32, #tpu.memory_space<vmem>>) target(%dma_start3A_138 : memref<32x768xf32, #tpu.memory_space<hbm>>) target_semaphore(%arg20 : memref<!tpu.dma_semaphore, #tpu.memory_space<semaphore_mem>>)
    %dma_wait3A_139 = arith.constant 64 : i32
    %dma_wait3A_140 = arith.constant 0 : i32
    %dma_wait3A_141 = tpu.memref_slice %arg4[%add3A_100, %dma_wait3A_139, %dma_wait3A_140] : memref<64x256x768xf32, #tpu.memory_space<hbm>> -> memref<1x32x768xf32, #tpu.memory_space<hbm>>
    %dma_wait3A_142 = tpu.memref_squeeze %dma_wait3A_141 : memref<1x32x768xf32, #tpu.memory_space<hbm>> -> memref<32x768xf32, #tpu.memory_space<hbm>>
    %dma_wait3A_143 = arith.constant 64 : i32
    %dma_wait3A_144 = arith.constant 0 : i32
    %dma_wait3A_145 = tpu.memref_slice %arg4[%add3A_100, %dma_wait3A_143, %dma_wait3A_144] : memref<64x256x768xf32, #tpu.memory_space<hbm>> -> memref<1x32x768xf32, #tpu.memory_space<hbm>>
    %dma_wait3A_146 = tpu.memref_squeeze %dma_wait3A_145 : memref<1x32x768xf32, #tpu.memory_space<hbm>> -> memref<32x768xf32, #tpu.memory_space<hbm>>
    tpu.wait_dma2 semaphore(%arg19 : memref<!tpu.dma_semaphore, #tpu.memory_space<semaphore_mem>>) src(%arg10 : memref<32x768xf32, #tpu.memory_space<vmem>>) dst(%dma_wait3A_146 : memref<32x768xf32, #tpu.memory_space<hbm>>)
    %dma_start3A_147 = arith.constant 192 : i32
    %dma_start3A_148 = tpu.memref_slice %arg7[%dma_start3A_147] : memref<512xi32, #tpu.memory_space<vmem>> -> memref<32xi32, #tpu.memory_space<vmem>>
    %dma_start3A_149 = arith.constant 0 : i32
    %dma_start3A_150 = arith.constant 0 : i32
    %dma_start3A_151 = tpu.memref_slice %arg2[%dma_start3A_149, %dma_start3A_150] : memref<65536x768xf32, #tpu.memory_space<hbm>> -> memref<65536x768xf32, #tpu.memory_space<hbm>>
    tpu.enqueue_indirect_dma source(%dma_start3A_151 : memref<65536x768xf32, #tpu.memory_space<hbm>>) target(%arg10 : memref<32x768xf32, #tpu.memory_space<vmem>>) offsets(%dma_start3A_148 : memref<32xi32, #tpu.memory_space<vmem>>) semaphore(%arg15 : memref<!tpu.dma_semaphore, #tpu.memory_space<semaphore_mem>>)
    %dma_wait3A_152 = arith.constant 128 : i32
    %dma_wait3A_153 = tpu.memref_slice %arg7[%dma_wait3A_152] : memref<512xi32, #tpu.memory_space<vmem>> -> memref<32xi32, #tpu.memory_space<vmem>>
    %dma_wait3A_154 = arith.constant 0 : i32
    %dma_wait3A_155 = arith.constant 0 : i32
    %dma_wait3A_156 = tpu.memref_slice %arg2[%dma_wait3A_154, %dma_wait3A_155] : memref<65536x768xf32, #tpu.memory_space<hbm>> -> memref<65536x768xf32, #tpu.memory_space<hbm>>
    tpu.wait_indirect_dma semaphore(%arg13 : memref<!tpu.dma_semaphore, #tpu.memory_space<semaphore_mem>>) src(%dma_wait3A_156 : memref<65536x768xf32, #tpu.memory_space<hbm>>) dst(%arg8 : memref<32x768xf32, #tpu.memory_space<vmem>>)
    %mul3A_157 = arith.constant 2 : i32
    %mul3A_158 = arith.muli %add3A, %mul3A_157 : i32
    %add3A_159 = arith.constant 0 : i32
    %add3A_160 = arith.addi %mul3A_158, %add3A_159 : i32
    %dma_start3A_161 = arith.constant 128 : i32
    %dma_start3A_162 = arith.constant 0 : i32
    %dma_start3A_163 = tpu.memref_slice %arg4[%add3A_160, %dma_start3A_161, %dma_start3A_162] : memref<64x256x768xf32, #tpu.memory_space<hbm>> -> memref<1x32x768xf32, #tpu.memory_space<hbm>>
    %dma_start3A_164 = tpu.memref_squeeze %dma_start3A_163 : memref<1x32x768xf32, #tpu.memory_space<hbm>> -> memref<32x768xf32, #tpu.memory_space<hbm>>
    %dma_start3A_165 = arith.constant 128 : i32
    %dma_start3A_166 = arith.constant 0 : i32
    %dma_start3A_167 = tpu.memref_slice %arg4[%add3A_160, %dma_start3A_165, %dma_start3A_166] : memref<64x256x768xf32, #tpu.memory_space<hbm>> -> memref<1x32x768xf32, #tpu.memory_space<hbm>>
    %dma_start3A_168 = tpu.memref_squeeze %dma_start3A_167 : memref<1x32x768xf32, #tpu.memory_space<hbm>> -> memref<32x768xf32, #tpu.memory_space<hbm>>
    tpu.enqueue_dma source(%arg8 : memref<32x768xf32, #tpu.memory_space<vmem>>) target(%dma_start3A_168 : memref<32x768xf32, #tpu.memory_space<hbm>>) target_semaphore(%arg17 : memref<!tpu.dma_semaphore, #tpu.memory_space<semaphore_mem>>)
    %dma_wait3A_169 = arith.constant 96 : i32
    %dma_wait3A_170 = arith.constant 0 : i32
    %dma_wait3A_171 = tpu.memref_slice %arg4[%add3A_130, %dma_wait3A_169, %dma_wait3A_170] : memref<64x256x768xf32, #tpu.memory_space<hbm>> -> memref<1x32x768xf32, #tpu.memory_space<hbm>>
    %dma_wait3A_172 = tpu.memref_squeeze %dma_wait3A_171 : memref<1x32x768xf32, #tpu.memory_space<hbm>> -> memref<32x768xf32, #tpu.memory_space<hbm>>
    %dma_wait3A_173 = arith.constant 96 : i32
    %dma_wait3A_174 = arith.constant 0 : i32
    %dma_wait3A_175 = tpu.memref_slice %arg4[%add3A_130, %dma_wait3A_173, %dma_wait3A_174] : memref<64x256x768xf32, #tpu.memory_space<hbm>> -> memref<1x32x768xf32, #tpu.memory_space<hbm>>
    %dma_wait3A_176 = tpu.memref_squeeze %dma_wait3A_175 : memref<1x32x768xf32, #tpu.memory_space<hbm>> -> memref<32x768xf32, #tpu.memory_space<hbm>>
    tpu.wait_dma2 semaphore(%arg20 : memref<!tpu.dma_semaphore, #tpu.memory_space<semaphore_mem>>) src(%arg11 : memref<32x768xf32, #tpu.memory_space<vmem>>) dst(%dma_wait3A_176 : memref<32x768xf32, #tpu.memory_space<hbm>>)
    %dma_start3A_177 = arith.constant 224 : i32
    %dma_start3A_178 = tpu.memref_slice %arg7[%dma_start3A_177] : memref<512xi32, #tpu.memory_space<vmem>> -> memref<32xi32, #tpu.memory_space<vmem>>
    %dma_start3A_179 = arith.constant 0 : i32
    %dma_start3A_180 = arith.constant 0 : i32
    %dma_start3A_181 = tpu.memref_slice %arg2[%dma_start3A_179, %dma_start3A_180] : memref<65536x768xf32, #tpu.memory_space<hbm>> -> memref<65536x768xf32, #tpu.memory_space<hbm>>
    tpu.enqueue_indirect_dma source(%dma_start3A_181 : memref<65536x768xf32, #tpu.memory_space<hbm>>) target(%arg11 : memref<32x768xf32, #tpu.memory_space<vmem>>) offsets(%dma_start3A_178 : memref<32xi32, #tpu.memory_space<vmem>>) semaphore(%arg16 : memref<!tpu.dma_semaphore, #tpu.memory_space<semaphore_mem>>)
    %dma_wait3A_182 = arith.constant 160 : i32
    %dma_wait3A_183 = tpu.memref_slice %arg7[%dma_wait3A_182] : memref<512xi32, #tpu.memory_space<vmem>> -> memref<32xi32, #tpu.memory_space<vmem>>
    %dma_wait3A_184 = arith.constant 0 : i32
    %dma_wait3A_185 = arith.constant 0 : i32
    %dma_wait3A_186 = tpu.memref_slice %arg2[%dma_wait3A_184, %dma_wait3A_185] : memref<65536x768xf32, #tpu.memory_space<hbm>> -> memref<65536x768xf32, #tpu.memory_space<hbm>>
    tpu.wait_indirect_dma semaphore(%arg14 : memref<!tpu.dma_semaphore, #tpu.memory_space<semaphore_mem>>) src(%dma_wait3A_186 : memref<65536x768xf32, #tpu.memory_space<hbm>>) dst(%arg9 : memref<32x768xf32, #tpu.memory_space<vmem>>)
    %mul3A_187 = arith.constant 2 : i32
    %mul3A_188 = arith.muli %add3A, %mul3A_187 : i32
    %add3A_189 = arith.constant 0 : i32
    %add3A_190 = arith.addi %mul3A_188, %add3A_189 : i32
    %dma_start3A_191 = arith.constant 160 : i32
    %dma_start3A_192 = arith.constant 0 : i32
    %dma_start3A_193 = tpu.memref_slice %arg4[%add3A_190, %dma_start3A_191, %dma_start3A_192] : memref<64x256x768xf32, #tpu.memory_space<hbm>> -> memref<1x32x768xf32, #tpu.memory_space<hbm>>
    %dma_start3A_194 = tpu.memref_squeeze %dma_start3A_193 : memref<1x32x768xf32, #tpu.memory_space<hbm>> -> memref<32x768xf32, #tpu.memory_space<hbm>>
    %dma_start3A_195 = arith.constant 160 : i32
    %dma_start3A_196 = arith.constant 0 : i32
    %dma_start3A_197 = tpu.memref_slice %arg4[%add3A_190, %dma_start3A_195, %dma_start3A_196] : memref<64x256x768xf32, #tpu.memory_space<hbm>> -> memref<1x32x768xf32, #tpu.memory_space<hbm>>
    %dma_start3A_198 = tpu.memref_squeeze %dma_start3A_197 : memref<1x32x768xf32, #tpu.memory_space<hbm>> -> memref<32x768xf32, #tpu.memory_space<hbm>>
    tpu.enqueue_dma source(%arg9 : memref<32x768xf32, #tpu.memory_space<vmem>>) target(%dma_start3A_198 : memref<32x768xf32, #tpu.memory_space<hbm>>) target_semaphore(%arg18 : memref<!tpu.dma_semaphore, #tpu.memory_space<semaphore_mem>>)
    %dma_wait3A_199 = arith.constant 128 : i32
    %dma_wait3A_200 = arith.constant 0 : i32
    %dma_wait3A_201 = tpu.memref_slice %arg4[%add3A_160, %dma_wait3A_199, %dma_wait3A_200] : memref<64x256x768xf32, #tpu.memory_space<hbm>> -> memref<1x32x768xf32, #tpu.memory_space<hbm>>
    %dma_wait3A_202 = tpu.memref_squeeze %dma_wait3A_201 : memref<1x32x768xf32, #tpu.memory_space<hbm>> -> memref<32x768xf32, #tpu.memory_space<hbm>>
    %dma_wait3A_203 = arith.constant 128 : i32
    %dma_wait3A_204 = arith.constant 0 : i32
    %dma_wait3A_205 = tpu.memref_slice %arg4[%add3A_160, %dma_wait3A_203, %dma_wait3A_204] : memref<64x256x768xf32, #tpu.memory_space<hbm>> -> memref<1x32x768xf32, #tpu.memory_space<hbm>>
    %dma_wait3A_206 = tpu.memref_squeeze %dma_wait3A_205 : memref<1x32x768xf32, #tpu.memory_space<hbm>> -> memref<32x768xf32, #tpu.memory_space<hbm>>
    tpu.wait_dma2 semaphore(%arg17 : memref<!tpu.dma_semaphore, #tpu.memory_space<semaphore_mem>>) src(%arg8 : memref<32x768xf32, #tpu.memory_space<vmem>>) dst(%dma_wait3A_206 : memref<32x768xf32, #tpu.memory_space<hbm>>)
    %dma_start3A_207 = arith.constant 256 : i32
    %dma_start3A_208 = tpu.memref_slice %arg7[%dma_start3A_207] : memref<512xi32, #tpu.memory_space<vmem>> -> memref<32xi32, #tpu.memory_space<vmem>>
    %dma_start3A_209 = arith.constant 0 : i32
    %dma_start3A_210 = arith.constant 0 : i32
    %dma_start3A_211 = tpu.memref_slice %arg2[%dma_start3A_209, %dma_start3A_210] : memref<65536x768xf32, #tpu.memory_space<hbm>> -> memref<65536x768xf32, #tpu.memory_space<hbm>>
    tpu.enqueue_indirect_dma source(%dma_start3A_211 : memref<65536x768xf32, #tpu.memory_space<hbm>>) target(%arg8 : memref<32x768xf32, #tpu.memory_space<vmem>>) offsets(%dma_start3A_208 : memref<32xi32, #tpu.memory_space<vmem>>) semaphore(%arg13 : memref<!tpu.dma_semaphore, #tpu.memory_space<semaphore_mem>>)
    %dma_wait3A_212 = arith.constant 192 : i32
    %dma_wait3A_213 = tpu.memref_slice %arg7[%dma_wait3A_212] : memref<512xi32, #tpu.memory_space<vmem>> -> memref<32xi32, #tpu.memory_space<vmem>>
    %dma_wait3A_214 = arith.constant 0 : i32
    %dma_wait3A_215 = arith.constant 0 : i32
    %dma_wait3A_216 = tpu.memref_slice %arg2[%dma_wait3A_214, %dma_wait3A_215] : memref<65536x768xf32, #tpu.memory_space<hbm>> -> memref<65536x768xf32, #tpu.memory_space<hbm>>
    tpu.wait_indirect_dma semaphore(%arg15 : memref<!tpu.dma_semaphore, #tpu.memory_space<semaphore_mem>>) src(%dma_wait3A_216 : memref<65536x768xf32, #tpu.memory_space<hbm>>) dst(%arg10 : memref<32x768xf32, #tpu.memory_space<vmem>>)
    %mul3A_217 = arith.constant 2 : i32
    %mul3A_218 = arith.muli %add3A, %mul3A_217 : i32
    %add3A_219 = arith.constant 0 : i32
    %add3A_220 = arith.addi %mul3A_218, %add3A_219 : i32
    %dma_start3A_221 = arith.constant 192 : i32
    %dma_start3A_222 = arith.constant 0 : i32
    %dma_start3A_223 = tpu.memref_slice %arg4[%add3A_220, %dma_start3A_221, %dma_start3A_222] : memref<64x256x768xf32, #tpu.memory_space<hbm>> -> memref<1x32x768xf32, #tpu.memory_space<hbm>>
    %dma_start3A_224 = tpu.memref_squeeze %dma_start3A_223 : memref<1x32x768xf32, #tpu.memory_space<hbm>> -> memref<32x768xf32, #tpu.memory_space<hbm>>
    %dma_start3A_225 = arith.constant 192 : i32
    %dma_start3A_226 = arith.constant 0 : i32
    %dma_start3A_227 = tpu.memref_slice %arg4[%add3A_220, %dma_start3A_225, %dma_start3A_226] : memref<64x256x768xf32, #tpu.memory_space<hbm>> -> memref<1x32x768xf32, #tpu.memory_space<hbm>>
    %dma_start3A_228 = tpu.memref_squeeze %dma_start3A_227 : memref<1x32x768xf32, #tpu.memory_space<hbm>> -> memref<32x768xf32, #tpu.memory_space<hbm>>
    tpu.enqueue_dma source(%arg10 : memref<32x768xf32, #tpu.memory_space<vmem>>) target(%dma_start3A_228 : memref<32x768xf32, #tpu.memory_space<hbm>>) target_semaphore(%arg19 : memref<!tpu.dma_semaphore, #tpu.memory_space<semaphore_mem>>)
    %dma_wait3A_229 = arith.constant 160 : i32
    %dma_wait3A_230 = arith.constant 0 : i32
    %dma_wait3A_231 = tpu.memref_slice %arg4[%add3A_190, %dma_wait3A_229, %dma_wait3A_230] : memref<64x256x768xf32, #tpu.memory_space<hbm>> -> memref<1x32x768xf32, #tpu.memory_space<hbm>>
    %dma_wait3A_232 = tpu.memref_squeeze %dma_wait3A_231 : memref<1x32x768xf32, #tpu.memory_space<hbm>> -> memref<32x768xf32, #tpu.memory_space<hbm>>
    %dma_wait3A_233 = arith.constant 160 : i32
    %dma_wait3A_234 = arith.constant 0 : i32
    %dma_wait3A_235 = tpu.memref_slice %arg4[%add3A_190, %dma_wait3A_233, %dma_wait3A_234] : memref<64x256x768xf32, #tpu.memory_space<hbm>> -> memref<1x32x768xf32, #tpu.memory_space<hbm>>
    %dma_wait3A_236 = tpu.memref_squeeze %dma_wait3A_235 : memref<1x32x768xf32, #tpu.memory_space<hbm>> -> memref<32x768xf32, #tpu.memory_space<hbm>>
    tpu.wait_dma2 semaphore(%arg18 : memref<!tpu.dma_semaphore, #tpu.memory_space<semaphore_mem>>) src(%arg9 : memref<32x768xf32, #tpu.memory_space<vmem>>) dst(%dma_wait3A_236 : memref<32x768xf32, #tpu.memory_space<hbm>>)
    %dma_start3A_237 = arith.constant 288 : i32
    %dma_start3A_238 = tpu.memref_slice %arg7[%dma_start3A_237] : memref<512xi32, #tpu.memory_space<vmem>> -> memref<32xi32, #tpu.memory_space<vmem>>
    %dma_start3A_239 = arith.constant 0 : i32
    %dma_start3A_240 = arith.constant 0 : i32
    %dma_start3A_241 = tpu.memref_slice %arg2[%dma_start3A_239, %dma_start3A_240] : memref<65536x768xf32, #tpu.memory_space<hbm>> -> memref<65536x768xf32, #tpu.memory_space<hbm>>
    tpu.enqueue_indirect_dma source(%dma_start3A_241 : memref<65536x768xf32, #tpu.memory_space<hbm>>) target(%arg9 : memref<32x768xf32, #tpu.memory_space<vmem>>) offsets(%dma_start3A_238 : memref<32xi32, #tpu.memory_space<vmem>>) semaphore(%arg14 : memref<!tpu.dma_semaphore, #tpu.memory_space<semaphore_mem>>)
    %dma_wait3A_242 = arith.constant 224 : i32
    %dma_wait3A_243 = tpu.memref_slice %arg7[%dma_wait3A_242] : memref<512xi32, #tpu.memory_space<vmem>> -> memref<32xi32, #tpu.memory_space<vmem>>
    %dma_wait3A_244 = arith.constant 0 : i32
    %dma_wait3A_245 = arith.constant 0 : i32
    %dma_wait3A_246 = tpu.memref_slice %arg2[%dma_wait3A_244, %dma_wait3A_245] : memref<65536x768xf32, #tpu.memory_space<hbm>> -> memref<65536x768xf32, #tpu.memory_space<hbm>>
    tpu.wait_indirect_dma semaphore(%arg16 : memref<!tpu.dma_semaphore, #tpu.memory_space<semaphore_mem>>) src(%dma_wait3A_246 : memref<65536x768xf32, #tpu.memory_space<hbm>>) dst(%arg11 : memref<32x768xf32, #tpu.memory_space<vmem>>)
    %mul3A_247 = arith.constant 2 : i32
    %mul3A_248 = arith.muli %add3A, %mul3A_247 : i32
    %add3A_249 = arith.constant 0 : i32
    %add3A_250 = arith.addi %mul3A_248, %add3A_249 : i32
    %dma_start3A_251 = arith.constant 224 : i32
    %dma_start3A_252 = arith.constant 0 : i32
    %dma_start3A_253 = tpu.memref_slice %arg4[%add3A_250, %dma_start3A_251, %dma_start3A_252] : memref<64x256x768xf32, #tpu.memory_space<hbm>> -> memref<1x32x768xf32, #tpu.memory_space<hbm>>
    %dma_start3A_254 = tpu.memref_squeeze %dma_start3A_253 : memref<1x32x768xf32, #tpu.memory_space<hbm>> -> memref<32x768xf32, #tpu.memory_space<hbm>>
    %dma_start3A_255 = arith.constant 224 : i32
    %dma_start3A_256 = arith.constant 0 : i32
    %dma_start3A_257 = tpu.memref_slice %arg4[%add3A_250, %dma_start3A_255, %dma_start3A_256] : memref<64x256x768xf32, #tpu.memory_space<hbm>> -> memref<1x32x768xf32, #tpu.memory_space<hbm>>
    %dma_start3A_258 = tpu.memref_squeeze %dma_start3A_257 : memref<1x32x768xf32, #tpu.memory_space<hbm>> -> memref<32x768xf32, #tpu.memory_space<hbm>>
    tpu.enqueue_dma source(%arg11 : memref<32x768xf32, #tpu.memory_space<vmem>>) target(%dma_start3A_258 : memref<32x768xf32, #tpu.memory_space<hbm>>) target_semaphore(%arg20 : memref<!tpu.dma_semaphore, #tpu.memory_space<semaphore_mem>>)
    %dma_wait3A_259 = arith.constant 192 : i32
    %dma_wait3A_260 = arith.constant 0 : i32
    %dma_wait3A_261 = tpu.memref_slice %arg4[%add3A_220, %dma_wait3A_259, %dma_wait3A_260] : memref<64x256x768xf32, #tpu.memory_space<hbm>> -> memref<1x32x768xf32, #tpu.memory_space<hbm>>
    %dma_wait3A_262 = tpu.memref_squeeze %dma_wait3A_261 : memref<1x32x768xf32, #tpu.memory_space<hbm>> -> memref<32x768xf32, #tpu.memory_space<hbm>>
    %dma_wait3A_263 = arith.constant 192 : i32
    %dma_wait3A_264 = arith.constant 0 : i32
    %dma_wait3A_265 = tpu.memref_slice %arg4[%add3A_220, %dma_wait3A_263, %dma_wait3A_264] : memref<64x256x768xf32, #tpu.memory_space<hbm>> -> memref<1x32x768xf32, #tpu.memory_space<hbm>>
    %dma_wait3A_266 = tpu.memref_squeeze %dma_wait3A_265 : memref<1x32x768xf32, #tpu.memory_space<hbm>> -> memref<32x768xf32, #tpu.memory_space<hbm>>
    tpu.wait_dma2 semaphore(%arg19 : memref<!tpu.dma_semaphore, #tpu.memory_space<semaphore_mem>>) src(%arg10 : memref<32x768xf32, #tpu.memory_space<vmem>>) dst(%dma_wait3A_266 : memref<32x768xf32, #tpu.memory_space<hbm>>)
    %dma_start3A_267 = arith.constant 320 : i32
    %dma_start3A_268 = tpu.memref_slice %arg7[%dma_start3A_267] : memref<512xi32, #tpu.memory_space<vmem>> -> memref<32xi32, #tpu.memory_space<vmem>>
    %dma_start3A_269 = arith.constant 0 : i32
    %dma_start3A_270 = arith.constant 0 : i32
    %dma_start3A_271 = tpu.memref_slice %arg2[%dma_start3A_269, %dma_start3A_270] : memref<65536x768xf32, #tpu.memory_space<hbm>> -> memref<65536x768xf32, #tpu.memory_space<hbm>>
    tpu.enqueue_indirect_dma source(%dma_start3A_271 : memref<65536x768xf32, #tpu.memory_space<hbm>>) target(%arg10 : memref<32x768xf32, #tpu.memory_space<vmem>>) offsets(%dma_start3A_268 : memref<32xi32, #tpu.memory_space<vmem>>) semaphore(%arg15 : memref<!tpu.dma_semaphore, #tpu.memory_space<semaphore_mem>>)
    %dma_wait3A_272 = arith.constant 256 : i32
    %dma_wait3A_273 = tpu.memref_slice %arg7[%dma_wait3A_272] : memref<512xi32, #tpu.memory_space<vmem>> -> memref<32xi32, #tpu.memory_space<vmem>>
    %dma_wait3A_274 = arith.constant 0 : i32
    %dma_wait3A_275 = arith.constant 0 : i32
    %dma_wait3A_276 = tpu.memref_slice %arg2[%dma_wait3A_274, %dma_wait3A_275] : memref<65536x768xf32, #tpu.memory_space<hbm>> -> memref<65536x768xf32, #tpu.memory_space<hbm>>
    tpu.wait_indirect_dma semaphore(%arg13 : memref<!tpu.dma_semaphore, #tpu.memory_space<semaphore_mem>>) src(%dma_wait3A_276 : memref<65536x768xf32, #tpu.memory_space<hbm>>) dst(%arg8 : memref<32x768xf32, #tpu.memory_space<vmem>>)
    %mul3A_277 = arith.constant 2 : i32
    %mul3A_278 = arith.muli %add3A, %mul3A_277 : i32
    %add3A_279 = arith.constant 1 : i32
    %add3A_280 = arith.addi %mul3A_278, %add3A_279 : i32
    %dma_start3A_281 = arith.constant 0 : i32
    %dma_start3A_282 = arith.constant 0 : i32
    %dma_start3A_283 = tpu.memref_slice %arg4[%add3A_280, %dma_start3A_281, %dma_start3A_282] : memref<64x256x768xf32, #tpu.memory_space<hbm>> -> memref<1x32x768xf32, #tpu.memory_space<hbm>>
    %dma_start3A_284 = tpu.memref_squeeze %dma_start3A_283 : memref<1x32x768xf32, #tpu.memory_space<hbm>> -> memref<32x768xf32, #tpu.memory_space<hbm>>
    %dma_start3A_285 = arith.constant 0 : i32
    %dma_start3A_286 = arith.constant 0 : i32
    %dma_start3A_287 = tpu.memref_slice %arg4[%add3A_280, %dma_start3A_285, %dma_start3A_286] : memref<64x256x768xf32, #tpu.memory_space<hbm>> -> memref<1x32x768xf32, #tpu.memory_space<hbm>>
    %dma_start3A_288 = tpu.memref_squeeze %dma_start3A_287 : memref<1x32x768xf32, #tpu.memory_space<hbm>> -> memref<32x768xf32, #tpu.memory_space<hbm>>
    tpu.enqueue_dma source(%arg8 : memref<32x768xf32, #tpu.memory_space<vmem>>) target(%dma_start3A_288 : memref<32x768xf32, #tpu.memory_space<hbm>>) target_semaphore(%arg17 : memref<!tpu.dma_semaphore, #tpu.memory_space<semaphore_mem>>)
    %dma_wait3A_289 = arith.constant 224 : i32
    %dma_wait3A_290 = arith.constant 0 : i32
    %dma_wait3A_291 = tpu.memref_slice %arg4[%add3A_250, %dma_wait3A_289, %dma_wait3A_290] : memref<64x256x768xf32, #tpu.memory_space<hbm>> -> memref<1x32x768xf32, #tpu.memory_space<hbm>>
    %dma_wait3A_292 = tpu.memref_squeeze %dma_wait3A_291 : memref<1x32x768xf32, #tpu.memory_space<hbm>> -> memref<32x768xf32, #tpu.memory_space<hbm>>
    %dma_wait3A_293 = arith.constant 224 : i32
    %dma_wait3A_294 = arith.constant 0 : i32
    %dma_wait3A_295 = tpu.memref_slice %arg4[%add3A_250, %dma_wait3A_293, %dma_wait3A_294] : memref<64x256x768xf32, #tpu.memory_space<hbm>> -> memref<1x32x768xf32, #tpu.memory_space<hbm>>
    %dma_wait3A_296 = tpu.memref_squeeze %dma_wait3A_295 : memref<1x32x768xf32, #tpu.memory_space<hbm>> -> memref<32x768xf32, #tpu.memory_space<hbm>>
    tpu.wait_dma2 semaphore(%arg20 : memref<!tpu.dma_semaphore, #tpu.memory_space<semaphore_mem>>) src(%arg11 : memref<32x768xf32, #tpu.memory_space<vmem>>) dst(%dma_wait3A_296 : memref<32x768xf32, #tpu.memory_space<hbm>>)
    %dma_start3A_297 = arith.constant 352 : i32
    %dma_start3A_298 = tpu.memref_slice %arg7[%dma_start3A_297] : memref<512xi32, #tpu.memory_space<vmem>> -> memref<32xi32, #tpu.memory_space<vmem>>
    %dma_start3A_299 = arith.constant 0 : i32
    %dma_start3A_300 = arith.constant 0 : i32
    %dma_start3A_301 = tpu.memref_slice %arg2[%dma_start3A_299, %dma_start3A_300] : memref<65536x768xf32, #tpu.memory_space<hbm>> -> memref<65536x768xf32, #tpu.memory_space<hbm>>
    tpu.enqueue_indirect_dma source(%dma_start3A_301 : memref<65536x768xf32, #tpu.memory_space<hbm>>) target(%arg11 : memref<32x768xf32, #tpu.memory_space<vmem>>) offsets(%dma_start3A_298 : memref<32xi32, #tpu.memory_space<vmem>>) semaphore(%arg16 : memref<!tpu.dma_semaphore, #tpu.memory_space<semaphore_mem>>)
    %dma_wait3A_302 = arith.constant 288 : i32
    %dma_wait3A_303 = tpu.memref_slice %arg7[%dma_wait3A_302] : memref<512xi32, #tpu.memory_space<vmem>> -> memref<32xi32, #tpu.memory_space<vmem>>
    %dma_wait3A_304 = arith.constant 0 : i32
    %dma_wait3A_305 = arith.constant 0 : i32
    %dma_wait3A_306 = tpu.memref_slice %arg2[%dma_wait3A_304, %dma_wait3A_305] : memref<65536x768xf32, #tpu.memory_space<hbm>> -> memref<65536x768xf32, #tpu.memory_space<hbm>>
    tpu.wait_indirect_dma semaphore(%arg14 : memref<!tpu.dma_semaphore, #tpu.memory_space<semaphore_mem>>) src(%dma_wait3A_306 : memref<65536x768xf32, #tpu.memory_space<hbm>>) dst(%arg9 : memref<32x768xf32, #tpu.memory_space<vmem>>)
    %mul3A_307 = arith.constant 2 : i32
    %mul3A_308 = arith.muli %add3A, %mul3A_307 : i32
    %add3A_309 = arith.constant 1 : i32
    %add3A_310 = arith.addi %mul3A_308, %add3A_309 : i32
    %dma_start3A_311 = arith.constant 32 : i32
    %dma_start3A_312 = arith.constant 0 : i32
    %dma_start3A_313 = tpu.memref_slice %arg4[%add3A_310, %dma_start3A_311, %dma_start3A_312] : memref<64x256x768xf32, #tpu.memory_space<hbm>> -> memref<1x32x768xf32, #tpu.memory_space<hbm>>
    %dma_start3A_314 = tpu.memref_squeeze %dma_start3A_313 : memref<1x32x768xf32, #tpu.memory_space<hbm>> -> memref<32x768xf32, #tpu.memory_space<hbm>>
    %dma_start3A_315 = arith.constant 32 : i32
    %dma_start3A_316 = arith.constant 0 : i32
    %dma_start3A_317 = tpu.memref_slice %arg4[%add3A_310, %dma_start3A_315, %dma_start3A_316] : memref<64x256x768xf32, #tpu.memory_space<hbm>> -> memref<1x32x768xf32, #tpu.memory_space<hbm>>
    %dma_start3A_318 = tpu.memref_squeeze %dma_start3A_317 : memref<1x32x768xf32, #tpu.memory_space<hbm>> -> memref<32x768xf32, #tpu.memory_space<hbm>>
    tpu.enqueue_dma source(%arg9 : memref<32x768xf32, #tpu.memory_space<vmem>>) target(%dma_start3A_318 : memref<32x768xf32, #tpu.memory_space<hbm>>) target_semaphore(%arg18 : memref<!tpu.dma_semaphore, #tpu.memory_space<semaphore_mem>>)
    %dma_wait3A_319 = arith.constant 0 : i32
    %dma_wait3A_320 = arith.constant 0 : i32
    %dma_wait3A_321 = tpu.memref_slice %arg4[%add3A_280, %dma_wait3A_319, %dma_wait3A_320] : memref<64x256x768xf32, #tpu.memory_space<hbm>> -> memref<1x32x768xf32, #tpu.memory_space<hbm>>
    %dma_wait3A_322 = tpu.memref_squeeze %dma_wait3A_321 : memref<1x32x768xf32, #tpu.memory_space<hbm>> -> memref<32x768xf32, #tpu.memory_space<hbm>>
    %dma_wait3A_323 = arith.constant 0 : i32
    %dma_wait3A_324 = arith.constant 0 : i32
    %dma_wait3A_325 = tpu.memref_slice %arg4[%add3A_280, %dma_wait3A_323, %dma_wait3A_324] : memref<64x256x768xf32, #tpu.memory_space<hbm>> -> memref<1x32x768xf32, #tpu.memory_space<hbm>>
    %dma_wait3A_326 = tpu.memref_squeeze %dma_wait3A_325 : memref<1x32x768xf32, #tpu.memory_space<hbm>> -> memref<32x768xf32, #tpu.memory_space<hbm>>
    tpu.wait_dma2 semaphore(%arg17 : memref<!tpu.dma_semaphore, #tpu.memory_space<semaphore_mem>>) src(%arg8 : memref<32x768xf32, #tpu.memory_space<vmem>>) dst(%dma_wait3A_326 : memref<32x768xf32, #tpu.memory_space<hbm>>)
    %dma_start3A_327 = arith.constant 384 : i32
    %dma_start3A_328 = tpu.memref_slice %arg7[%dma_start3A_327] : memref<512xi32, #tpu.memory_space<vmem>> -> memref<32xi32, #tpu.memory_space<vmem>>
    %dma_start3A_329 = arith.constant 0 : i32
    %dma_start3A_330 = arith.constant 0 : i32
    %dma_start3A_331 = tpu.memref_slice %arg2[%dma_start3A_329, %dma_start3A_330] : memref<65536x768xf32, #tpu.memory_space<hbm>> -> memref<65536x768xf32, #tpu.memory_space<hbm>>
    tpu.enqueue_indirect_dma source(%dma_start3A_331 : memref<65536x768xf32, #tpu.memory_space<hbm>>) target(%arg8 : memref<32x768xf32, #tpu.memory_space<vmem>>) offsets(%dma_start3A_328 : memref<32xi32, #tpu.memory_space<vmem>>) semaphore(%arg13 : memref<!tpu.dma_semaphore, #tpu.memory_space<semaphore_mem>>)
    %dma_wait3A_332 = arith.constant 320 : i32
    %dma_wait3A_333 = tpu.memref_slice %arg7[%dma_wait3A_332] : memref<512xi32, #tpu.memory_space<vmem>> -> memref<32xi32, #tpu.memory_space<vmem>>
    %dma_wait3A_334 = arith.constant 0 : i32
    %dma_wait3A_335 = arith.constant 0 : i32
    %dma_wait3A_336 = tpu.memref_slice %arg2[%dma_wait3A_334, %dma_wait3A_335] : memref<65536x768xf32, #tpu.memory_space<hbm>> -> memref<65536x768xf32, #tpu.memory_space<hbm>>
    tpu.wait_indirect_dma semaphore(%arg15 : memref<!tpu.dma_semaphore, #tpu.memory_space<semaphore_mem>>) src(%dma_wait3A_336 : memref<65536x768xf32, #tpu.memory_space<hbm>>) dst(%arg10 : memref<32x768xf32, #tpu.memory_space<vmem>>)
    %mul3A_337 = arith.constant 2 : i32
    %mul3A_338 = arith.muli %add3A, %mul3A_337 : i32
    %add3A_339 = arith.constant 1 : i32
    %add3A_340 = arith.addi %mul3A_338, %add3A_339 : i32
    %dma_start3A_341 = arith.constant 64 : i32
    %dma_start3A_342 = arith.constant 0 : i32
    %dma_start3A_343 = tpu.memref_slice %arg4[%add3A_340, %dma_start3A_341, %dma_start3A_342] : memref<64x256x768xf32, #tpu.memory_space<hbm>> -> memref<1x32x768xf32, #tpu.memory_space<hbm>>
    %dma_start3A_344 = tpu.memref_squeeze %dma_start3A_343 : memref<1x32x768xf32, #tpu.memory_space<hbm>> -> memref<32x768xf32, #tpu.memory_space<hbm>>
    %dma_start3A_345 = arith.constant 64 : i32
    %dma_start3A_346 = arith.constant 0 : i32
    %dma_start3A_347 = tpu.memref_slice %arg4[%add3A_340, %dma_start3A_345, %dma_start3A_346] : memref<64x256x768xf32, #tpu.memory_space<hbm>> -> memref<1x32x768xf32, #tpu.memory_space<hbm>>
    %dma_start3A_348 = tpu.memref_squeeze %dma_start3A_347 : memref<1x32x768xf32, #tpu.memory_space<hbm>> -> memref<32x768xf32, #tpu.memory_space<hbm>>
    tpu.enqueue_dma source(%arg10 : memref<32x768xf32, #tpu.memory_space<vmem>>) target(%dma_start3A_348 : memref<32x768xf32, #tpu.memory_space<hbm>>) target_semaphore(%arg19 : memref<!tpu.dma_semaphore, #tpu.memory_space<semaphore_mem>>)
    %dma_wait3A_349 = arith.constant 32 : i32
    %dma_wait3A_350 = arith.constant 0 : i32
    %dma_wait3A_351 = tpu.memref_slice %arg4[%add3A_310, %dma_wait3A_349, %dma_wait3A_350] : memref<64x256x768xf32, #tpu.memory_space<hbm>> -> memref<1x32x768xf32, #tpu.memory_space<hbm>>
    %dma_wait3A_352 = tpu.memref_squeeze %dma_wait3A_351 : memref<1x32x768xf32, #tpu.memory_space<hbm>> -> memref<32x768xf32, #tpu.memory_space<hbm>>
    %dma_wait3A_353 = arith.constant 32 : i32
    %dma_wait3A_354 = arith.constant 0 : i32
    %dma_wait3A_355 = tpu.memref_slice %arg4[%add3A_310, %dma_wait3A_353, %dma_wait3A_354] : memref<64x256x768xf32, #tpu.memory_space<hbm>> -> memref<1x32x768xf32, #tpu.memory_space<hbm>>
    %dma_wait3A_356 = tpu.memref_squeeze %dma_wait3A_355 : memref<1x32x768xf32, #tpu.memory_space<hbm>> -> memref<32x768xf32, #tpu.memory_space<hbm>>
    tpu.wait_dma2 semaphore(%arg18 : memref<!tpu.dma_semaphore, #tpu.memory_space<semaphore_mem>>) src(%arg9 : memref<32x768xf32, #tpu.memory_space<vmem>>) dst(%dma_wait3A_356 : memref<32x768xf32, #tpu.memory_space<hbm>>)
    %dma_start3A_357 = arith.constant 416 : i32
    %dma_start3A_358 = tpu.memref_slice %arg7[%dma_start3A_357] : memref<512xi32, #tpu.memory_space<vmem>> -> memref<32xi32, #tpu.memory_space<vmem>>
    %dma_start3A_359 = arith.constant 0 : i32
    %dma_start3A_360 = arith.constant 0 : i32
    %dma_start3A_361 = tpu.memref_slice %arg2[%dma_start3A_359, %dma_start3A_360] : memref<65536x768xf32, #tpu.memory_space<hbm>> -> memref<65536x768xf32, #tpu.memory_space<hbm>>
    tpu.enqueue_indirect_dma source(%dma_start3A_361 : memref<65536x768xf32, #tpu.memory_space<hbm>>) target(%arg9 : memref<32x768xf32, #tpu.memory_space<vmem>>) offsets(%dma_start3A_358 : memref<32xi32, #tpu.memory_space<vmem>>) semaphore(%arg14 : memref<!tpu.dma_semaphore, #tpu.memory_space<semaphore_mem>>)
    %dma_wait3A_362 = arith.constant 352 : i32
    %dma_wait3A_363 = tpu.memref_slice %arg7[%dma_wait3A_362] : memref<512xi32, #tpu.memory_space<vmem>> -> memref<32xi32, #tpu.memory_space<vmem>>
    %dma_wait3A_364 = arith.constant 0 : i32
    %dma_wait3A_365 = arith.constant 0 : i32
    %dma_wait3A_366 = tpu.memref_slice %arg2[%dma_wait3A_364, %dma_wait3A_365] : memref<65536x768xf32, #tpu.memory_space<hbm>> -> memref<65536x768xf32, #tpu.memory_space<hbm>>
    tpu.wait_indirect_dma semaphore(%arg16 : memref<!tpu.dma_semaphore, #tpu.memory_space<semaphore_mem>>) src(%dma_wait3A_366 : memref<65536x768xf32, #tpu.memory_space<hbm>>) dst(%arg11 : memref<32x768xf32, #tpu.memory_space<vmem>>)
    %mul3A_367 = arith.constant 2 : i32
    %mul3A_368 = arith.muli %add3A, %mul3A_367 : i32
    %add3A_369 = arith.constant 1 : i32
    %add3A_370 = arith.addi %mul3A_368, %add3A_369 : i32
    %dma_start3A_371 = arith.constant 96 : i32
    %dma_start3A_372 = arith.constant 0 : i32
    %dma_start3A_373 = tpu.memref_slice %arg4[%add3A_370, %dma_start3A_371, %dma_start3A_372] : memref<64x256x768xf32, #tpu.memory_space<hbm>> -> memref<1x32x768xf32, #tpu.memory_space<hbm>>
    %dma_start3A_374 = tpu.memref_squeeze %dma_start3A_373 : memref<1x32x768xf32, #tpu.memory_space<hbm>> -> memref<32x768xf32, #tpu.memory_space<hbm>>
    %dma_start3A_375 = arith.constant 96 : i32
    %dma_start3A_376 = arith.constant 0 : i32
    %dma_start3A_377 = tpu.memref_slice %arg4[%add3A_370, %dma_start3A_375, %dma_start3A_376] : memref<64x256x768xf32, #tpu.memory_space<hbm>> -> memref<1x32x768xf32, #tpu.memory_space<hbm>>
    %dma_start3A_378 = tpu.memref_squeeze %dma_start3A_377 : memref<1x32x768xf32, #tpu.memory_space<hbm>> -> memref<32x768xf32, #tpu.memory_space<hbm>>
    tpu.enqueue_dma source(%arg11 : memref<32x768xf32, #tpu.memory_space<vmem>>) target(%dma_start3A_378 : memref<32x768xf32, #tpu.memory_space<hbm>>) target_semaphore(%arg20 : memref<!tpu.dma_semaphore, #tpu.memory_space<semaphore_mem>>)
    %dma_wait3A_379 = arith.constant 64 : i32
    %dma_wait3A_380 = arith.constant 0 : i32
    %dma_wait3A_381 = tpu.memref_slice %arg4[%add3A_340, %dma_wait3A_379, %dma_wait3A_380] : memref<64x256x768xf32, #tpu.memory_space<hbm>> -> memref<1x32x768xf32, #tpu.memory_space<hbm>>
    %dma_wait3A_382 = tpu.memref_squeeze %dma_wait3A_381 : memref<1x32x768xf32, #tpu.memory_space<hbm>> -> memref<32x768xf32, #tpu.memory_space<hbm>>
    %dma_wait3A_383 = arith.constant 64 : i32
    %dma_wait3A_384 = arith.constant 0 : i32
    %dma_wait3A_385 = tpu.memref_slice %arg4[%add3A_340, %dma_wait3A_383, %dma_wait3A_384] : memref<64x256x768xf32, #tpu.memory_space<hbm>> -> memref<1x32x768xf32, #tpu.memory_space<hbm>>
    %dma_wait3A_386 = tpu.memref_squeeze %dma_wait3A_385 : memref<1x32x768xf32, #tpu.memory_space<hbm>> -> memref<32x768xf32, #tpu.memory_space<hbm>>
    tpu.wait_dma2 semaphore(%arg19 : memref<!tpu.dma_semaphore, #tpu.memory_space<semaphore_mem>>) src(%arg10 : memref<32x768xf32, #tpu.memory_space<vmem>>) dst(%dma_wait3A_386 : memref<32x768xf32, #tpu.memory_space<hbm>>)
    %dma_start3A_387 = arith.constant 448 : i32
    %dma_start3A_388 = tpu.memref_slice %arg7[%dma_start3A_387] : memref<512xi32, #tpu.memory_space<vmem>> -> memref<32xi32, #tpu.memory_space<vmem>>
    %dma_start3A_389 = arith.constant 0 : i32
    %dma_start3A_390 = arith.constant 0 : i32
    %dma_start3A_391 = tpu.memref_slice %arg2[%dma_start3A_389, %dma_start3A_390] : memref<65536x768xf32, #tpu.memory_space<hbm>> -> memref<65536x768xf32, #tpu.memory_space<hbm>>
    tpu.enqueue_indirect_dma source(%dma_start3A_391 : memref<65536x768xf32, #tpu.memory_space<hbm>>) target(%arg10 : memref<32x768xf32, #tpu.memory_space<vmem>>) offsets(%dma_start3A_388 : memref<32xi32, #tpu.memory_space<vmem>>) semaphore(%arg15 : memref<!tpu.dma_semaphore, #tpu.memory_space<semaphore_mem>>)
    %dma_wait3A_392 = arith.constant 384 : i32
    %dma_wait3A_393 = tpu.memref_slice %arg7[%dma_wait3A_392] : memref<512xi32, #tpu.memory_space<vmem>> -> memref<32xi32, #tpu.memory_space<vmem>>
    %dma_wait3A_394 = arith.constant 0 : i32
    %dma_wait3A_395 = arith.constant 0 : i32
    %dma_wait3A_396 = tpu.memref_slice %arg2[%dma_wait3A_394, %dma_wait3A_395] : memref<65536x768xf32, #tpu.memory_space<hbm>> -> memref<65536x768xf32, #tpu.memory_space<hbm>>
    tpu.wait_indirect_dma semaphore(%arg13 : memref<!tpu.dma_semaphore, #tpu.memory_space<semaphore_mem>>) src(%dma_wait3A_396 : memref<65536x768xf32, #tpu.memory_space<hbm>>) dst(%arg8 : memref<32x768xf32, #tpu.memory_space<vmem>>)
    %mul3A_397 = arith.constant 2 : i32
    %mul3A_398 = arith.muli %add3A, %mul3A_397 : i32
    %add3A_399 = arith.constant 1 : i32
    %add3A_400 = arith.addi %mul3A_398, %add3A_399 : i32
    %dma_start3A_401 = arith.constant 128 : i32
    %dma_start3A_402 = arith.constant 0 : i32
    %dma_start3A_403 = tpu.memref_slice %arg4[%add3A_400, %dma_start3A_401, %dma_start3A_402] : memref<64x256x768xf32, #tpu.memory_space<hbm>> -> memref<1x32x768xf32, #tpu.memory_space<hbm>>
    %dma_start3A_404 = tpu.memref_squeeze %dma_start3A_403 : memref<1x32x768xf32, #tpu.memory_space<hbm>> -> memref<32x768xf32, #tpu.memory_space<hbm>>
    %dma_start3A_405 = arith.constant 128 : i32
    %dma_start3A_406 = arith.constant 0 : i32
    %dma_start3A_407 = tpu.memref_slice %arg4[%add3A_400, %dma_start3A_405, %dma_start3A_406] : memref<64x256x768xf32, #tpu.memory_space<hbm>> -> memref<1x32x768xf32, #tpu.memory_space<hbm>>
    %dma_start3A_408 = tpu.memref_squeeze %dma_start3A_407 : memref<1x32x768xf32, #tpu.memory_space<hbm>> -> memref<32x768xf32, #tpu.memory_space<hbm>>
    tpu.enqueue_dma source(%arg8 : memref<32x768xf32, #tpu.memory_space<vmem>>) target(%dma_start3A_408 : memref<32x768xf32, #tpu.memory_space<hbm>>) target_semaphore(%arg17 : memref<!tpu.dma_semaphore, #tpu.memory_space<semaphore_mem>>)
    %dma_wait3A_409 = arith.constant 96 : i32
    %dma_wait3A_410 = arith.constant 0 : i32
    %dma_wait3A_411 = tpu.memref_slice %arg4[%add3A_370, %dma_wait3A_409, %dma_wait3A_410] : memref<64x256x768xf32, #tpu.memory_space<hbm>> -> memref<1x32x768xf32, #tpu.memory_space<hbm>>
    %dma_wait3A_412 = tpu.memref_squeeze %dma_wait3A_411 : memref<1x32x768xf32, #tpu.memory_space<hbm>> -> memref<32x768xf32, #tpu.memory_space<hbm>>
    %dma_wait3A_413 = arith.constant 96 : i32
    %dma_wait3A_414 = arith.constant 0 : i32
    %dma_wait3A_415 = tpu.memref_slice %arg4[%add3A_370, %dma_wait3A_413, %dma_wait3A_414] : memref<64x256x768xf32, #tpu.memory_space<hbm>> -> memref<1x32x768xf32, #tpu.memory_space<hbm>>
    %dma_wait3A_416 = tpu.memref_squeeze %dma_wait3A_415 : memref<1x32x768xf32, #tpu.memory_space<hbm>> -> memref<32x768xf32, #tpu.memory_space<hbm>>
    tpu.wait_dma2 semaphore(%arg20 : memref<!tpu.dma_semaphore, #tpu.memory_space<semaphore_mem>>) src(%arg11 : memref<32x768xf32, #tpu.memory_space<vmem>>) dst(%dma_wait3A_416 : memref<32x768xf32, #tpu.memory_space<hbm>>)
    %dma_start3A_417 = arith.constant 480 : i32
    %dma_start3A_418 = tpu.memref_slice %arg7[%dma_start3A_417] : memref<512xi32, #tpu.memory_space<vmem>> -> memref<32xi32, #tpu.memory_space<vmem>>
    %dma_start3A_419 = arith.constant 0 : i32
    %dma_start3A_420 = arith.constant 0 : i32
    %dma_start3A_421 = tpu.memref_slice %arg2[%dma_start3A_419, %dma_start3A_420] : memref<65536x768xf32, #tpu.memory_space<hbm>> -> memref<65536x768xf32, #tpu.memory_space<hbm>>
    tpu.enqueue_indirect_dma source(%dma_start3A_421 : memref<65536x768xf32, #tpu.memory_space<hbm>>) target(%arg11 : memref<32x768xf32, #tpu.memory_space<vmem>>) offsets(%dma_start3A_418 : memref<32xi32, #tpu.memory_space<vmem>>) semaphore(%arg16 : memref<!tpu.dma_semaphore, #tpu.memory_space<semaphore_mem>>)
    %dma_wait3A_422 = arith.constant 416 : i32
    %dma_wait3A_423 = tpu.memref_slice %arg7[%dma_wait3A_422] : memref<512xi32, #tpu.memory_space<vmem>> -> memref<32xi32, #tpu.memory_space<vmem>>
    %dma_wait3A_424 = arith.constant 0 : i32
    %dma_wait3A_425 = arith.constant 0 : i32
    %dma_wait3A_426 = tpu.memref_slice %arg2[%dma_wait3A_424, %dma_wait3A_425] : memref<65536x768xf32, #tpu.memory_space<hbm>> -> memref<65536x768xf32, #tpu.memory_space<hbm>>
    tpu.wait_indirect_dma semaphore(%arg14 : memref<!tpu.dma_semaphore, #tpu.memory_space<semaphore_mem>>) src(%dma_wait3A_426 : memref<65536x768xf32, #tpu.memory_space<hbm>>) dst(%arg9 : memref<32x768xf32, #tpu.memory_space<vmem>>)
    %mul3A_427 = arith.constant 2 : i32
    %mul3A_428 = arith.muli %add3A, %mul3A_427 : i32
    %add3A_429 = arith.constant 1 : i32
    %add3A_430 = arith.addi %mul3A_428, %add3A_429 : i32
    %dma_start3A_431 = arith.constant 160 : i32
    %dma_start3A_432 = arith.constant 0 : i32
    %dma_start3A_433 = tpu.memref_slice %arg4[%add3A_430, %dma_start3A_431, %dma_start3A_432] : memref<64x256x768xf32, #tpu.memory_space<hbm>> -> memref<1x32x768xf32, #tpu.memory_space<hbm>>
    %dma_start3A_434 = tpu.memref_squeeze %dma_start3A_433 : memref<1x32x768xf32, #tpu.memory_space<hbm>> -> memref<32x768xf32, #tpu.memory_space<hbm>>
    %dma_start3A_435 = arith.constant 160 : i32
    %dma_start3A_436 = arith.constant 0 : i32
    %dma_start3A_437 = tpu.memref_slice %arg4[%add3A_430, %dma_start3A_435, %dma_start3A_436] : memref<64x256x768xf32, #tpu.memory_space<hbm>> -> memref<1x32x768xf32, #tpu.memory_space<hbm>>
    %dma_start3A_438 = tpu.memref_squeeze %dma_start3A_437 : memref<1x32x768xf32, #tpu.memory_space<hbm>> -> memref<32x768xf32, #tpu.memory_space<hbm>>
    tpu.enqueue_dma source(%arg9 : memref<32x768xf32, #tpu.memory_space<vmem>>) target(%dma_start3A_438 : memref<32x768xf32, #tpu.memory_space<hbm>>) target_semaphore(%arg18 : memref<!tpu.dma_semaphore, #tpu.memory_space<semaphore_mem>>)
    %dma_wait3A_439 = arith.constant 448 : i32
    %dma_wait3A_440 = tpu.memref_slice %arg7[%dma_wait3A_439] : memref<512xi32, #tpu.memory_space<vmem>> -> memref<32xi32, #tpu.memory_space<vmem>>
    %dma_wait3A_441 = arith.constant 0 : i32
    %dma_wait3A_442 = arith.constant 0 : i32
    %dma_wait3A_443 = tpu.memref_slice %arg2[%dma_wait3A_441, %dma_wait3A_442] : memref<65536x768xf32, #tpu.memory_space<hbm>> -> memref<65536x768xf32, #tpu.memory_space<hbm>>
    tpu.wait_indirect_dma semaphore(%arg15 : memref<!tpu.dma_semaphore, #tpu.memory_space<semaphore_mem>>) src(%dma_wait3A_443 : memref<65536x768xf32, #tpu.memory_space<hbm>>) dst(%arg10 : memref<32x768xf32, #tpu.memory_space<vmem>>)
    %mul3A_444 = arith.constant 2 : i32
    %mul3A_445 = arith.muli %add3A, %mul3A_444 : i32
    %add3A_446 = arith.constant 1 : i32
    %add3A_447 = arith.addi %mul3A_445, %add3A_446 : i32
    %dma_start3A_448 = arith.constant 192 : i32
    %dma_start3A_449 = arith.constant 0 : i32
    %dma_start3A_450 = tpu.memref_slice %arg4[%add3A_447, %dma_start3A_448, %dma_start3A_449] : memref<64x256x768xf32, #tpu.memory_space<hbm>> -> memref<1x32x768xf32, #tpu.memory_space<hbm>>
    %dma_start3A_451 = tpu.memref_squeeze %dma_start3A_450 : memref<1x32x768xf32, #tpu.memory_space<hbm>> -> memref<32x768xf32, #tpu.memory_space<hbm>>
    %dma_start3A_452 = arith.constant 192 : i32
    %dma_start3A_453 = arith.constant 0 : i32
    %dma_start3A_454 = tpu.memref_slice %arg4[%add3A_447, %dma_start3A_452, %dma_start3A_453] : memref<64x256x768xf32, #tpu.memory_space<hbm>> -> memref<1x32x768xf32, #tpu.memory_space<hbm>>
    %dma_start3A_455 = tpu.memref_squeeze %dma_start3A_454 : memref<1x32x768xf32, #tpu.memory_space<hbm>> -> memref<32x768xf32, #tpu.memory_space<hbm>>
    tpu.enqueue_dma source(%arg10 : memref<32x768xf32, #tpu.memory_space<vmem>>) target(%dma_start3A_455 : memref<32x768xf32, #tpu.memory_space<hbm>>) target_semaphore(%arg19 : memref<!tpu.dma_semaphore, #tpu.memory_space<semaphore_mem>>)
    %dma_wait3A_456 = arith.constant 480 : i32
    %dma_wait3A_457 = tpu.memref_slice %arg7[%dma_wait3A_456] : memref<512xi32, #tpu.memory_space<vmem>> -> memref<32xi32, #tpu.memory_space<vmem>>
    %dma_wait3A_458 = arith.constant 0 : i32
    %dma_wait3A_459 = arith.constant 0 : i32
    %dma_wait3A_460 = tpu.memref_slice %arg2[%dma_wait3A_458, %dma_wait3A_459] : memref<65536x768xf32, #tpu.memory_space<hbm>> -> memref<65536x768xf32, #tpu.memory_space<hbm>>
    tpu.wait_indirect_dma semaphore(%arg16 : memref<!tpu.dma_semaphore, #tpu.memory_space<semaphore_mem>>) src(%dma_wait3A_460 : memref<65536x768xf32, #tpu.memory_space<hbm>>) dst(%arg11 : memref<32x768xf32, #tpu.memory_space<vmem>>)
    %mul3A_461 = arith.constant 2 : i32
    %mul3A_462 = arith.muli %add3A, %mul3A_461 : i32
    %add3A_463 = arith.constant 1 : i32
    %add3A_464 = arith.addi %mul3A_462, %add3A_463 : i32
    %dma_start3A_465 = arith.constant 224 : i32
    %dma_start3A_466 = arith.constant 0 : i32
    %dma_start3A_467 = tpu.memref_slice %arg4[%add3A_464, %dma_start3A_465, %dma_start3A_466] : memref<64x256x768xf32, #tpu.memory_space<hbm>> -> memref<1x32x768xf32, #tpu.memory_space<hbm>>
    %dma_start3A_468 = tpu.memref_squeeze %dma_start3A_467 : memref<1x32x768xf32, #tpu.memory_space<hbm>> -> memref<32x768xf32, #tpu.memory_space<hbm>>
    %dma_start3A_469 = arith.constant 224 : i32
    %dma_start3A_470 = arith.constant 0 : i32
    %dma_start3A_471 = tpu.memref_slice %arg4[%add3A_464, %dma_start3A_469, %dma_start3A_470] : memref<64x256x768xf32, #tpu.memory_space<hbm>> -> memref<1x32x768xf32, #tpu.memory_space<hbm>>
    %dma_start3A_472 = tpu.memref_squeeze %dma_start3A_471 : memref<1x32x768xf32, #tpu.memory_space<hbm>> -> memref<32x768xf32, #tpu.memory_space<hbm>>
    tpu.enqueue_dma source(%arg11 : memref<32x768xf32, #tpu.memory_space<vmem>>) target(%dma_start3A_472 : memref<32x768xf32, #tpu.memory_space<hbm>>) target_semaphore(%arg20 : memref<!tpu.dma_semaphore, #tpu.memory_space<semaphore_mem>>)
    %dma_wait3A_473 = arith.constant 128 : i32
    %dma_wait3A_474 = arith.constant 0 : i32
    %dma_wait3A_475 = tpu.memref_slice %arg4[%add3A_400, %dma_wait3A_473, %dma_wait3A_474] : memref<64x256x768xf32, #tpu.memory_space<hbm>> -> memref<1x32x768xf32, #tpu.memory_space<hbm>>
    %dma_wait3A_476 = tpu.memref_squeeze %dma_wait3A_475 : memref<1x32x768xf32, #tpu.memory_space<hbm>> -> memref<32x768xf32, #tpu.memory_space<hbm>>
    %dma_wait3A_477 = arith.constant 128 : i32
    %dma_wait3A_478 = arith.constant 0 : i32
    %dma_wait3A_479 = tpu.memref_slice %arg4[%add3A_400, %dma_wait3A_477, %dma_wait3A_478] : memref<64x256x768xf32, #tpu.memory_space<hbm>> -> memref<1x32x768xf32, #tpu.memory_space<hbm>>
    %dma_wait3A_480 = tpu.memref_squeeze %dma_wait3A_479 : memref<1x32x768xf32, #tpu.memory_space<hbm>> -> memref<32x768xf32, #tpu.memory_space<hbm>>
    tpu.wait_dma2 semaphore(%arg17 : memref<!tpu.dma_semaphore, #tpu.memory_space<semaphore_mem>>) src(%arg8 : memref<32x768xf32, #tpu.memory_space<vmem>>) dst(%dma_wait3A_480 : memref<32x768xf32, #tpu.memory_space<hbm>>)
    %dma_wait3A_481 = arith.constant 160 : i32
    %dma_wait3A_482 = arith.constant 0 : i32
    %dma_wait3A_483 = tpu.memref_slice %arg4[%add3A_430, %dma_wait3A_481, %dma_wait3A_482] : memref<64x256x768xf32, #tpu.memory_space<hbm>> -> memref<1x32x768xf32, #tpu.memory_space<hbm>>
    %dma_wait3A_484 = tpu.memref_squeeze %dma_wait3A_483 : memref<1x32x768xf32, #tpu.memory_space<hbm>> -> memref<32x768xf32, #tpu.memory_space<hbm>>
    %dma_wait3A_485 = arith.constant 160 : i32
    %dma_wait3A_486 = arith.constant 0 : i32
    %dma_wait3A_487 = tpu.memref_slice %arg4[%add3A_430, %dma_wait3A_485, %dma_wait3A_486] : memref<64x256x768xf32, #tpu.memory_space<hbm>> -> memref<1x32x768xf32, #tpu.memory_space<hbm>>
    %dma_wait3A_488 = tpu.memref_squeeze %dma_wait3A_487 : memref<1x32x768xf32, #tpu.memory_space<hbm>> -> memref<32x768xf32, #tpu.memory_space<hbm>>
    tpu.wait_dma2 semaphore(%arg18 : memref<!tpu.dma_semaphore, #tpu.memory_space<semaphore_mem>>) src(%arg9 : memref<32x768xf32, #tpu.memory_space<vmem>>) dst(%dma_wait3A_488 : memref<32x768xf32, #tpu.memory_space<hbm>>)
    %dma_wait3A_489 = arith.constant 192 : i32
    %dma_wait3A_490 = arith.constant 0 : i32
    %dma_wait3A_491 = tpu.memref_slice %arg4[%add3A_447, %dma_wait3A_489, %dma_wait3A_490] : memref<64x256x768xf32, #tpu.memory_space<hbm>> -> memref<1x32x768xf32, #tpu.memory_space<hbm>>
    %dma_wait3A_492 = tpu.memref_squeeze %dma_wait3A_491 : memref<1x32x768xf32, #tpu.memory_space<hbm>> -> memref<32x768xf32, #tpu.memory_space<hbm>>
    %dma_wait3A_493 = arith.constant 192 : i32
    %dma_wait3A_494 = arith.constant 0 : i32
    %dma_wait3A_495 = tpu.memref_slice %arg4[%add3A_447, %dma_wait3A_493, %dma_wait3A_494] : memref<64x256x768xf32, #tpu.memory_space<hbm>> -> memref<1x32x768xf32, #tpu.memory_space<hbm>>
    %dma_wait3A_496 = tpu.memref_squeeze %dma_wait3A_495 : memref<1x32x768xf32, #tpu.memory_space<hbm>> -> memref<32x768xf32, #tpu.memory_space<hbm>>
    tpu.wait_dma2 semaphore(%arg19 : memref<!tpu.dma_semaphore, #tpu.memory_space<semaphore_mem>>) src(%arg10 : memref<32x768xf32, #tpu.memory_space<vmem>>) dst(%dma_wait3A_496 : memref<32x768xf32, #tpu.memory_space<hbm>>)
    %dma_wait3A_497 = arith.constant 224 : i32
    %dma_wait3A_498 = arith.constant 0 : i32
    %dma_wait3A_499 = tpu.memref_slice %arg4[%add3A_464, %dma_wait3A_497, %dma_wait3A_498] : memref<64x256x768xf32, #tpu.memory_space<hbm>> -> memref<1x32x768xf32, #tpu.memory_space<hbm>>
    %dma_wait3A_500 = tpu.memref_squeeze %dma_wait3A_499 : memref<1x32x768xf32, #tpu.memory_space<hbm>> -> memref<32x768xf32, #tpu.memory_space<hbm>>
    %dma_wait3A_501 = arith.constant 224 : i32
    %dma_wait3A_502 = arith.constant 0 : i32
    %dma_wait3A_503 = tpu.memref_slice %arg4[%add3A_464, %dma_wait3A_501, %dma_wait3A_502] : memref<64x256x768xf32, #tpu.memory_space<hbm>> -> memref<1x32x768xf32, #tpu.memory_space<hbm>>
    %dma_wait3A_504 = tpu.memref_squeeze %dma_wait3A_503 : memref<1x32x768xf32, #tpu.memory_space<hbm>> -> memref<32x768xf32, #tpu.memory_space<hbm>>
    tpu.wait_dma2 semaphore(%arg20 : memref<!tpu.dma_semaphore, #tpu.memory_space<semaphore_mem>>) src(%arg11 : memref<32x768xf32, #tpu.memory_space<vmem>>) dst(%dma_wait3A_504 : memref<32x768xf32, #tpu.memory_space<hbm>>)
    return
  }
}

</mosaic_0001>

<sc_bundles>
// kernel: kernel.3.cloned.1.call-start
scs
__scs_entry_jumppad:
0x0: {  	(pc) =	sbr.rel $0x88, $3  }
0x1: {  	(tag) =	ssettag $0x0;
	lr =	simm.s32 $0x1  }
0x2: {  	[smem:$0x3FA0] =	sst lr;
	_ =	strace $0xD0000000  }
0x3: {  	_ = 	snop  }
0x4: {  	_ = 	snop  }
0x5: {  	_ = 	snop  }
0x6: {  	_ = 	snop  }
0x7: {  	_ = 	snop  }
__scs_overlays_trampoline_lowered:
0x8: {  	[smem:$0x3FAF] =	sst s0  }
0x9: {  	[smem:$0x3FB0] =	sst s1  }
0xa: {  	[smem:$0x3FB1] =	sst s2  }
0xb: {  	[smem:$0x3FB2] =	sst s3  }
0xc: {  	[smem:$0x3FB3] =	sst s4  }
0xd: {  	[smem:$0x3FB4] =	sst s5  }
0xe: {  	[smem:$0x3FB5] =	sst s6  }
0xf: {  	[smem:$0x3FB6] =	sst s7  }
0x10: {  	[smem:$0x3FB7] =	sst s8  }
0x11: {  	[smem:$0x3FB8] =	sst s9;
	s0 =	simm.s32 @!p0 $0x0  }
0x12: {  	s1 =	sld [smem:$0x3F9E];
	s0 =	simm.s32 @p0 $0x1  }
0x13: {  	[smem:$0x3FB9] =	sst s0;
	s0 =	simm.s32 @!p1 $0x0  }
0x14: {  	s2 =	sld [smem:$0x3F9D];
	s0 =	simm.s32 @p1 $0x1  }
0x15: {  	[smem:$0x3FBA] =	sst s0;
	s0 =	simm.s32 @!p2 $0x0  }
0x16: {  	s3 =	sld [smem:$0x3FDB];
	s0 =	simm.s32 @p2 $0x1  }
0x17: {  	s4 =	simm.s32 $0x1BF5;
	[smem:$0x3FBC] =	sst s0  }
0x18: {  	s0 =	sld [smem:$0x3F9F];
	_ =	swait.ge [sflag:s4], $0x0  }
0x19: {  	s7 =	sld [smem:$0x3FA0]  }
0x1a: {  	s8 =	sadd.s32 $0xFFFFE003, lr  }
0x1b: {  	s9 =	sadd.s32 $0xFFFFFEF7, lr;
	s5 =	simm.s32 $0xFFFFFFFF;
	p2 =	slt.u32 s8, $0xFFFFF086  }
0x1c: {  	p1 =	slt.u32 s9, $0xF7A;
	s5 =	simm.s32 @!p2 $0x0  }
0x1d: {  	s5 =	simm.s32 @p1 $0x1;
	p0 =	seq.s32 s7, s2  }
0x1e: {  	s7 =	smul.u32 @!p0 $0xF7A, s2;
	p2 =	seq.s32 @!p0 s5, $0x0  }
0x1f: {  	s9 =	smul.u32 $0xF7A, s1;
	s8 =	simm.s32 @!p0 $0x1BF5;
	p2 =	por !p2, p0  }
0x20: {  	[sflag:s8] =	ssyncset.s32 @!p0 $0xFFFFF086;
	s6 =	sadd.s32 @!p0 s3, s7;
	s7 =	simm.s32 @!p0 $0x108  }
0x21: {  	s3 =	sadd.s32 s3, s9;
	s6 =	sadd.s32 @!p0 $0x88, s6;
	s7 =	simm.s32 @p2 $0x1082  }
0x22: {  	[simem:s7], [sflag:s8] =	dma.local @!p0 [hbm:s6], $0xF7A  }
0x23: {  	s9 =	sor.u32 $0xD0000000, s2;
	s6 =	simm.s32 $0x108;
	_ =	swait.ge @!p0 [sflag:s8], $0x0  }
0x24: {  	s3 =	sadd.s32 $0x88, s3;
	s6 =	simm.s32 @!p1 $0x1082;
	[sflag:s4] =	ssyncset.s32 $0xFFFFF086  }
0x25: {  	[simem:s6], [sflag:s4] =	dma.local [hbm:s3], $0xF7A  }
0x26: {  	[smem:$0x3FA0] =	sst s1;
	(tag) =	ssettag s2;
	_ =	strace s9  }
0x27: {  	s1 =	sld [smem:$0x3FB0]  }
0x28: {  	s2 =	sld [smem:$0x3FB1]  }
0x29: {  	s4 =	sld [smem:$0x3FB3]  }
0x2a: {  	p0 =	seq.s32 s5, $0x0;
	s5 =	sld [smem:$0x3FB4]  }
0x2b: {  	s6 =	sld [smem:$0x3FB5]  }
0x2c: {  	s7 =	sld [smem:$0x3FB6]  }
0x2d: {  	s3 =	simm.s32 $0x108;
	s8 =	sld [smem:$0x3FB7]  }
0x2e: {  	s3 =	simm.s32 @!p0 $0x1082;
	s9 =	sld [smem:$0x3FB8]  }
0x2f: {  	lr =	sadd.s32 s0, s3;
	s0 =	sld [smem:$0x3FAF]  }
0x30: {  	s3 =	sld [smem:$0x3FB2]  }
0x31: {  	[smem:$0x3FBB] =	sst s10  }
0x32: {  	s10 =	sld [smem:$0x3FB9];
	_ =	sdelay $0x3  }
0x33: {  	p0 =	seq.s32 s10, $0x1;
	s10 =	sld [smem:$0x3FBB];
	_ =	sdelay $0x3  }
0x34: {  	[smem:$0x3FBB] =	sst s10  }
0x35: {  	s10 =	sld [smem:$0x3FBA];
	_ =	sdelay $0x3  }
0x36: {  	p1 =	seq.s32 s10, $0x1;
	s10 =	sld [smem:$0x3FBB];
	_ =	sdelay $0x3  }
0x37: {  	[smem:$0x3FBB] =	sst s10  }
0x38: {  	s10 =	sld [smem:$0x3FBC]  }
0x39: {  	_ = 	snop;
	(pc) =	sbr.ind lr, $3  }
0x3a: {  	_ = 	snop  }
0x3b: {  	_ = 	snop  }
0x3c: {  	p2 =	seq.s32 s10, $0x1;
	s10 =	sld [smem:$0x3FBB]  }
0x3d: {  	_ =	shalt  }
0x3e: {  	_ =	shalt  }
0x3f: {  	_ =	shalt  }
0x40: {  	_ =	shalt  }
0x41: {  	_ =	shalt  }
0x42: {  	_ =	shalt  }
0x43: {  	_ =	shalt  }
0x44: {  	_ =	shalt  }
0x45: {  	_ =	shalt  }
0x46: {  	_ =	shalt  }
0x47: {  	_ =	shalt  }
0x48: {  	_ =	shalt  }
0x49: {  	_ =	shalt  }
0x4a: {  	_ =	shalt  }
0x4b: {  	_ =	shalt  }
0x4c: {  	_ =	shalt  }
0x4d: {  	_ =	shalt  }
0x4e: {  	_ =	shalt  }
0x4f: {  	_ =	shalt  }
0x50: {  	_ =	shalt  }
0x51: {  	_ =	shalt  }
0x52: {  	_ =	shalt  }
0x53: {  	_ =	shalt  }
0x54: {  	_ =	shalt  }
0x55: {  	_ =	shalt  }
0x56: {  	_ =	shalt  }
0x57: {  	_ =	shalt  }
0x58: {  	_ =	shalt  }
0x59: {  	_ =	shalt  }
0x5a: {  	_ =	shalt  }
0x5b: {  	_ =	shalt  }
0x5c: {  	_ =	shalt  }
0x5d: {  	_ =	shalt  }
0x5e: {  	_ =	shalt  }
0x5f: {  	_ =	shalt  }
0x60: {  	_ =	shalt  }
0x61: {  	_ =	shalt  }
0x62: {  	_ =	shalt  }
0x63: {  	_ =	shalt  }
0x64: {  	_ =	shalt  }
0x65: {  	_ =	shalt  }
0x66: {  	_ =	shalt  }
0x67: {  	_ =	shalt  }
0x68: {  	_ =	shalt  }
0x69: {  	_ =	shalt  }
0x6a: {  	_ =	shalt  }
0x6b: {  	_ =	shalt  }
0x6c: {  	_ =	shalt  }
0x6d: {  	_ =	shalt  }
0x6e: {  	_ =	shalt  }
0x6f: {  	_ =	shalt  }
0x70: {  	_ =	shalt  }
0x71: {  	_ =	shalt  }
0x72: {  	_ =	shalt  }
0x73: {  	_ =	shalt  }
0x74: {  	_ =	shalt  }
0x75: {  	_ =	shalt  }
0x76: {  	_ =	shalt  }
0x77: {  	_ =	shalt  }
0x78: {  	_ =	shalt  }
0x79: {  	_ =	shalt  }
0x7a: {  	_ =	shalt  }
0x7b: {  	_ =	shalt  }
0x7c: {  	_ =	shalt  }
0x7d: {  	_ =	shalt  }
0x7e: {  	_ =	shalt  }
0x7f: {  	_ =	shalt  }
0x80: {  	_ =	shalt  }
0x81: {  	_ =	shalt  }
0x82: {  	_ =	shalt  }
0x83: {  	_ =	shalt  }
0x84: {  	_ =	shalt  }
0x85: {  	_ =	shalt  }
0x86: {  	_ =	shalt  }
0x87: {  	_ =	shalt  }
.Lfunc_end0:
.L_simem_size_0:
called_computation_lowered:
.L_overlay_start_0:
0x88: {  	s2 =	sld [smem:$0x3FD9]  }
0x89: {  	s3 =	sld [smem:$0x3FFE];
	_ =	sdelay $0x1  }
0x8a: {  	s1 =	srdreg.scid  }
0x8b: {  	s0 =	sand.u32 $0x1, s1  }
0x8c: {  	s14 =	sshll.u32 s0, $0xA;
	s2 =	sadd.s32 s3, s2  }
0x8d: {  	s2 =	sadd.s32 s2, s14  }
0x8e: {  	[smem:$0x3FC7] =	sst s2  }
0x8f: {  	_ = 	snop  }
0x90: {  	s2 =	sld [smem:$0x3FD0];
	_ =	sdelay $0x2  }
0x91: {  	s4 =	simm.s32 $0xA;
	s5 =	simm.s32 $0x10;
	s15 =	sld [smem:$0x3FC9]  }
0x92: {  	[smem:s5], [sflag:s4] =	dma.local [hbm:s2], $0x1  }
0x93: {  	_ =	swait.eq [sflag:s4], $0x1  }
0x94: {  	s16 =	sld [smem:$0x10];
	[sflag:s4] =	ssyncset.done $0x0  }
0x95: {  	s17 =	sld [smem:$0x11];
	[sflag:s4] =	ssyncadd.s32 $0xFFFFFFFF  }
0x96: {  	s18 =	sld [smem:$0x12];
	(tm) =	ssettm $0x1  }
0x97: {  	s6 =	sld [smem:$0x3FFB];
	_ =	sdelay $0x3  }
0x98: {  	_ =	strace s6  }
0x99: {  	s6 =	sld [smem:$0x3FFC];
	_ =	sdelay $0x3  }
0x9a: {  	_ =	strace s6  }
0x9b: {  	s6 =	sld [smem:$0x3FFD];
	_ =	sdelay $0x3  }
0x9c: {  	_ =	strace s6  }
0x9d: {  	_ =	strace $0x8FFFFFFF  }
0x9e: {  	s19 =	sld [smem:$0x3FDB];
	_ =	sdelay $0x1  }
0x9f: {  	s7 =	simm.s32 $_scs_section_size  }
0xa0: {  	s8 =	simm.s32 $_size__tile_overlayer_lowered;
	s9 =	simm.s32 $_tile_overlayer_lowered  }
0xa1: {  	s22 =	simm.s32 $0x1BFF;
	s21 =	sshll.u32 s9, $0x1;
	s6 =	sadd.s32 s7, s19  }
0xa2: {  	s10 =	simm.s32 $0x0;
	s20 =	sshll.u32 s8, $0x1;
	s8 =	sadd.s32 s21, s6  }
0xa3: {  	[timem:s10], [sflag:s22] =	dma.local [hbm:s8], s20  }
0xa4: {  	_ =	swait.ge [sflag:s22], s20  }
0xa5: {  	s7 =	ssub.s32 $0x0, s20;
	[sflag:s22] =	ssyncset.done $0x0  }
0xa6: {  	[sflag:s22] =	ssyncadd.s32 s7;
	_ =	sdelay $0x1  }
0xa7: {  	s23 =	simm.s32 $0x1B8B  }
0xa8: {  	_ =	swait.ge [sflag:s23], $0x1  }
0xa9: {  	[sflag:s23] =	ssyncset.done $0x0  }
0xaa: {  	s25 =	simm.s32 $0x1B8E;
	s24 =	sld [smem:$0x3FFE];
	[sflag:s23] =	ssyncadd.s32 $0xFFFFFFFF  }
0xab: {  	s26 =	simm.s32 $execute0_lowered;
	[smem:$0x3FD2] =	sst s25  }
0xac: {  	s8 =	sshll.u32 s26, $0x1;
	_ =	strace $0x80000046;
	[dreg:$0x1] =	wrdreg $0xFFFFFFFF  }
0xad: {  	s28 =	simm.s32 $_size_execute0_lowered;
	s6 =	sadd.s32 s6, s8;
	[dreg:$0x0] =	wrdreg $0x0  }
0xae: {  	s8 =	sshll.u32 s28, $0x1;
	[dreg:$0x2] =	wrdreg s6  }
0xaf: {  	[dreg:$0x3] =	wrdreg s8  }
0xb0: {  	[dreg:$0x4] =	wrdreg $0xC0  }
0xb1: {  	_ =	task [dreg:s10], $0x5FFFF  }
0xb2: {  	[dreg:$0x1] =	wrdreg $0xFFFFFFFF  }
0xb3: {  	[dreg:$0x0] =	wrdreg $0x60  }
0xb4: {  	[dreg:$0x2] =	wrdreg s15  }
0xb5: {  	[dreg:$0x3] =	wrdreg s24  }
0xb6: {  	[dreg:$0x4] =	wrdreg s16  }
0xb7: {  	[dreg:$0x5] =	wrdreg s17  }
0xb8: {  	[dreg:$0x6] =	wrdreg s18  }
0xb9: {  	[dreg:$0x7] =	wrdreg $0x9  }
0xba: {  	_ =	task.clear_ibuf [dreg:s10], $0x8FFFF;
	_ =	strace $0x90000046  }
0xbb: {  	s29 =	simm.s32 $0x9;
	_ =	strace $0x80000048  }
0xbc: {  	_ =	swait.ge [sflag:s29], $0x1  }
0xbd: {  	[sflag:s29] =	ssyncadd.s32 $0xFFFFFFFF  }
0xbe: {  	_ =	strace $0x90000048  }
0xbf: {  	_ =	sfence  }
0xc0: {  	s30 =	sld [smem:$0x0];
	_ =	sdelay $0x2  }
0xc1: {  	s31 =	sshll.u32 s1, $0xD;
	s1 =	sshrl.u32 s1, $0x2  }
0xc2: {  	s3 =	sand.u32 $0x4000, s31;
	s1 =	sadd.s32 s1, s30  }
0xc3: {  	s0 =	sor.u32 s3, s0;
	s1 =	sshll.u32 s1, $0x11  }
0xc4: {  	s0 =	sor.u32 s1, s0  }
0xc5: {  	s0 =	sadd.s32 $0x8F2B, s0  }
0xc6: {  	[sflag:s0] =	ssyncadd.remote.s32 $0x1  }
0xc7: {  	_ =	sfence.sel $0xFFFF  }
0xc8: {  	[dreg:$0x0] =	wrdreg $0xFFFFFFFF;
	(pc) =	sbr.abs _section_cstart, $3  }
0xc9: {  	[dreg:$0x1] =	wrdreg $0xFFFFFFFF  }
0xca: {  	_ =	task.clear_ibuf [dreg:s10], $0x2FFFF;
	_ =	strace $0x9FFFFFFF  }
0xcb: {  	(tm) =	ssettm $0x7FFFFFFF  }
tec
execute0_lowered:
.L_overlay_start_1:
0x0: {  	(tag) =	ssettag $0x1  }
0x1: {  	s1 =	rddreg [dreg:$0x0]  }
0x2: {  	s4 =	rddreg [dreg:$0x1]  }
0x3: {  	s0 =	rddreg [dreg:$0x2]  }
0x4: {  	s5 =	rddreg [dreg:$0x3]  }
0x5: {  	s6 =	rddreg [dreg:$0x4]  }
0x6: {  	s2 =	srdreg.scid;
	s7 =	stileid.u32  }
0x7: {  	s3 =	simm.s32 $0x0;
	s2 =	sand.u32 $0x1, s2;
	s7 =	sshll.u32 s7, $0x1  }
0x8: {  	[smem:$0x7FF] =	sst s3;
	s7 =	sor.u32 s2, s7  }
0x9: {  	s4 =	sadd.s32 $0x600, s4;
	_ =	strace $0x80000047;
	s8 =	sshll.u32 s7, $0xB  }
0xa: {  	s9 =	sshll.u32 s7, $0x8;
	s10 =	sshll.u32 s7, $0x6;
	s12 =	sshllo.u32 s7, $0x1  }
0xb: {  	s7 =	smul.u32 $0x60000, s7;
	s11 =	sshrl.u32 s8, $0x3;
	s9 =	sor.u32 s9, s8  }
0xc: {  	s10 =	sadd.s32 s4, s10;
	s29 =	sshll.u32 s12, $0x7;
	s11 =	sadd.s32 s4, s11  }
0xd: {  	s9 =	sand.u32 $0xE300, s9;
	[dreg:$0x6] =	wrdreg s10;
	s25 =	sadd.s32 $0x800, s11  }
0xe: {  	s4 =	sadd.s32 s4, s29;
	s28 =	sadd.s32 $0x2800, s11;
	[dreg:$0x7] =	wrdreg s25  }
0xf: {  	s8 =	sor.u32 s8, s29;
	s30 =	sadd.s32 $0x800, s4;
	[dreg:$0x9] =	wrdreg s28  }
0x10: {  	s9 =	sshrl.u32 s9, $0x3;
	s4 =	sadd.s32 $0x2800, s4;
	[dreg:$0xb] =	wrdreg s30  }
0x11: {  	s8 =	sand.u32 $0xE380, s8;
	s26 =	sadd.s32 s5, s9;
	[dreg:$0xd] =	wrdreg s4  }
0x12: {  	s9 =	sadd.s32 s6, s9;
	s8 =	sshrl.u32 s8, $0x3;
	[dreg:$0x8] =	wrdreg s26  }
0x13: {  	[dreg:$0xa] =	wrdreg s9;
	s5 =	sadd.s32 s5, s8;
	s8 =	sadd.s32 s6, s8  }
0x14: {  	s9 =	sadd.s32 $0xC00, s0;
	[dreg:$0xc] =	wrdreg s5;
	s5 =	sshrl.u32 s7, $0x3  }
0x15: {  	s11 =	sadd.s32 $0x1800, s0;
	[dreg:$0xe] =	wrdreg s8;
	s10 =	sadd.s32 s5, s9  }
0x16: {  	s31 =	simm.s32 $0x1;
	s14 =	sadd.s32 s5, s11;
	[dreg:$0xf] =	wrdreg s10  }
0x17: {  	s2 =	ssub.s32 $0x2, s2;
	s13 =	sadd.s32 s0, s5;
	[dreg:$0x10] =	wrdreg s14  }
0x18: {  	s18 =	smul.u32 $0x30000, s12;
	s15 =	sadd.s32 $0x2400, s13;
	[dreg:$0x1d] =	wrdreg s13  }
0x19: {  	s26 =	sshrl.u32 s2, $0x1;
	s16 =	sadd.s32 $0x3000, s13;
	[dreg:$0x11] =	wrdreg s15  }
0x1a: {  	s6 =	sadd.s32 $0x100, s1;
	s17 =	sadd.s32 $0x3C00, s13;
	[dreg:$0x12] =	wrdreg s16  }
0x1b: {  	s2 =	ssub.s32 s2, s26;
	s19 =	sadd.s32 $0x4800, s13;
	[dreg:$0x13] =	wrdreg s17  }
0x1c: {  	s5 =	sshrl.u32 s18, $0x3;
	s20 =	sadd.s32 $0x5400, s13;
	[dreg:$0x14] =	wrdreg s19  }
0x1d: {  	s7 =	sadd.s32 $0x200, s1;
	s21 =	sadd.s32 s5, s9;
	[dreg:$0x15] =	wrdreg s20  }
0x1e: {  	s8 =	smax.u32 s2, $0x1;
	s23 =	sadd.s32 s5, s11;
	[dreg:$0x16] =	wrdreg s21  }
0x1f: {  	s18 =	simm.s32 $0x3;
	s22 =	sadd.s32 s0, s5;
	[dreg:$0x17] =	wrdreg s23  }
0x20: {  	s9 =	simm.s32 $0x9;
	s24 =	sadd.s32 $0x2400, s22;
	[dreg:$0x1e] =	wrdreg s22  }
0x21: {  	s25 =	sadd.s32 $0x3000, s22;
	s28 =	sadd.s32 $0x3C00, s22;
	[dreg:$0x18] =	wrdreg s24  }
0x22: {  	s29 =	sadd.s32 $0x4800, s22;
	s30 =	sadd.s32 $0x5400, s22;
	[dreg:$0x19] =	wrdreg s25  }
0x23: {  	v2 =	vlaneseq.u32;
	s16 =	simm.s32 $0x2;
	s17 =	simm.s32 $0x5;
	[dreg:$0x1a] =	wrdreg s28  }
0x24: {  	vm0 =	vmmov $0xffff;
	v1 =	vshrl.u32 v2, $0x3;
	s19 =	simm.s32 $0x6;
	s20 =	simm.s32 $0x4;
	[dreg:$0x1b] =	wrdreg s29  }
0x25: {  	v0 =	vand.u32 $0x7, v2;
	v2 =	vor.u32 $0x8, v2;
	v1 =	vmul.u32 $0x8, v1;
	s21 =	simm.s32 $0x7;
	[dreg:$0x1c] =	wrdreg s30;
	s24 =	simm.s32 $0x8  }
.LBB2_1:
0x26: {  	s25 =	rddreg [dreg:$0x6]  }
0x27: {  	[tilespmem:s3], [sflag:$0x9] =	stream.linear.gather [hbm4b:s25+s3], $0x200, $0x38;
	[tilespmem:$0x18600] =	vst v63  }
0x28: {  	_ =	swait.ge [sflag:s9], $0x200  }
0x29: {  	[sflag:s9] =	ssyncset.done $0x0  }
0x2a: {  	[sflag:s9] =	ssyncadd.s32 $0xFFFFFE00  }
0x2b: {  	v3 =	vld [tilespmem:$0x0];
	_ =	sdelay $0x4  }
0x2c: {  	v4 =	vshrl.u32 v3, $0x3  }
0x2d: {  	v4 =	vmul.u32 $0x30, v4  }
0x2e: {  	v3 =	vand.u32 $0x7, v3  }
0x2f: {  	v3 =	vor.u32 v3, v4  }
0x30: {  	v4 =	vperm.xlane v3, v0;
	_ =	sdelay $0x1  }
0x31: {  	v4 =	vadd.s32 v1, v4;
	_ =	sdelay $0x3  }
0x32: {  	s0 =	simm.s32 $0x200;
	v3 =	vperm.xlane v3, v2  }
0x33: {  	[tilespmem:s0], [sflag:$0x1] =	stream.indirect_vreg.gather [hbm4b:s1+s3], $0x80, v4, vm0, $0xb8;
	[tilespmem:$0x18600] =	vst v63  }
0x34: {  	s14 =	simm.s32 $0xA00;
	v3 =	vadd.s32 v1, v3  }
0x35: {  	[tilespmem:s14], [sflag:$0x1] =	stream.indirect_vreg.gather [hbm4b:s6+s3], $0x80, v4, vm0, $0xb8;
	[tilespmem:$0x18600] =	vst v63  }
0x36: {  	s15 =	simm.s32 $0x1200  }
0x37: {  	[tilespmem:s15], [sflag:$0x1] =	stream.indirect_vreg.gather [hbm4b:s7+s3], $0x80, v4, vm0, $0xb8;
	[tilespmem:$0x18600] =	vst v63  }
0x38: {  	s22 =	simm.s32 $0x1A00  }
0x39: {  	[tilespmem:s22], [sflag:$0x1] =	stream.indirect_vreg.gather [hbm4b:s1+s3], $0x80, v3, vm0, $0xb8;
	[tilespmem:$0x18600] =	vst v63  }
0x3a: {  	s23 =	simm.s32 $0x2200  }
0x3b: {  	[tilespmem:s23], [sflag:$0x1] =	stream.indirect_vreg.gather [hbm4b:s6+s3], $0x80, v3, vm0, $0xb8;
	[tilespmem:$0x18600] =	vst v63  }
0x3c: {  	s25 =	simm.s32 $0x2A00  }
0x3d: {  	[tilespmem:s25], [sflag:$0x1] =	stream.indirect_vreg.gather [hbm4b:s7+s3], $0x80, v3, vm0, $0xb8;
	[tilespmem:$0x18600] =	vst v63  }
0x3e: {  	v3 =	vld [tilespmem:$0x10];
	_ =	sdelay $0x4  }
0x3f: {  	v33 =	vshrl.u32 v3, $0x3  }
0x40: {  	v4 =	vmul.u32 $0x30, v33  }
0x41: {  	v3 =	vand.u32 $0x7, v3  }
0x42: {  	v3 =	vor.u32 v3, v4  }
0x43: {  	v4 =	vperm.xlane v3, v0;
	_ =	sdelay $0x1  }
0x44: {  	v4 =	vadd.s32 v1, v4;
	_ =	sdelay $0x3  }
0x45: {  	s29 =	simm.s32 $0x3200;
	v3 =	vperm.xlane v3, v2  }
0x46: {  	[tilespmem:s29], [sflag:$0x1] =	stream.indirect_vreg.gather [hbm4b:s1+s3], $0x80, v4, vm0, $0xb8;
	[tilespmem:$0x18600] =	vst v63  }
0x47: {  	s30 =	simm.s32 $0x3A00;
	v3 =	vadd.s32 v1, v3  }
0x48: {  	[tilespmem:s30], [sflag:$0x1] =	stream.indirect_vreg.gather [hbm4b:s6+s3], $0x80, v4, vm0, $0xb8;
	[tilespmem:$0x18600] =	vst v63  }
0x49: {  	s2 =	simm.s32 $0x4200  }
0x4a: {  	[tilespmem:s2], [sflag:$0x1] =	stream.indirect_vreg.gather [hbm4b:s7+s3], $0x80, v4, vm0, $0xb8;
	[tilespmem:$0x18600] =	vst v63  }
0x4b: {  	s4 =	simm.s32 $0x4A00  }
0x4c: {  	[tilespmem:s4], [sflag:$0x1] =	stream.indirect_vreg.gather [hbm4b:s1+s3], $0x80, v3, vm0, $0xb8;
	[tilespmem:$0x18600] =	vst v63  }
0x4d: {  	s5 =	simm.s32 $0x5200  }
0x4e: {  	[tilespmem:s5], [sflag:$0x1] =	stream.indirect_vreg.gather [hbm4b:s6+s3], $0x80, v3, vm0, $0xb8;
	[tilespmem:$0x18600] =	vst v63  }
0x4f: {  	s10 =	simm.s32 $0x5A00  }
0x50: {  	[tilespmem:s10], [sflag:$0x1] =	stream.indirect_vreg.gather [hbm4b:s7+s3], $0x80, v3, vm0, $0xb8;
	[tilespmem:$0x18600] =	vst v63  }
0x51: {  	v3 =	vld [tilespmem:$0x20];
	_ =	sdelay $0x4  }
0x52: {  	v34 =	vshrl.u32 v3, $0x3  }
0x53: {  	v4 =	vmul.u32 $0x30, v34  }
0x54: {  	v3 =	vand.u32 $0x7, v3  }
0x55: {  	v3 =	vor.u32 v3, v4  }
0x56: {  	v4 =	vperm.xlane v3, v0;
	_ =	sdelay $0x1  }
0x57: {  	v4 =	vadd.s32 v1, v4;
	_ =	sdelay $0x3  }
0x58: {  	s11 =	simm.s32 $0x6200;
	v3 =	vperm.xlane v3, v2  }
0x59: {  	[tilespmem:s11], [sflag:$0x2] =	stream.indirect_vreg.gather [hbm4b:s1+s3], $0x80, v4, vm0, $0xb8;
	[tilespmem:$0x18600] =	vst v63  }
0x5a: {  	s12 =	simm.s32 $0x6A00;
	v3 =	vadd.s32 v1, v3  }
0x5b: {  	[tilespmem:s12], [sflag:$0x2] =	stream.indirect_vreg.gather [hbm4b:s6+s3], $0x80, v4, vm0, $0xb8;
	[tilespmem:$0x18600] =	vst v63  }
0x5c: {  	s13 =	simm.s32 $0x7200  }
0x5d: {  	[tilespmem:s13], [sflag:$0x2] =	stream.indirect_vreg.gather [hbm4b:s7+s3], $0x80, v4, vm0, $0xb8;
	[tilespmem:$0x18600] =	vst v63  }
0x5e: {  	s14 =	simm.s32 $0x7A00  }
0x5f: {  	[tilespmem:s14], [sflag:$0x2] =	stream.indirect_vreg.gather [hbm4b:s1+s3], $0x80, v3, vm0, $0xb8;
	[tilespmem:$0x18600] =	vst v63  }
0x60: {  	s15 =	simm.s32 $0x8200  }
0x61: {  	[tilespmem:s15], [sflag:$0x2] =	stream.indirect_vreg.gather [hbm4b:s6+s3], $0x80, v3, vm0, $0xb8;
	[tilespmem:$0x18600] =	vst v63  }
0x62: {  	s25 =	simm.s32 $0x8A00  }
0x63: {  	[tilespmem:s25], [sflag:$0x2] =	stream.indirect_vreg.gather [hbm4b:s7+s3], $0x80, v3, vm0, $0xb8;
	[tilespmem:$0x18600] =	vst v63  }
0x64: {  	v3 =	vld [tilespmem:$0x30];
	_ =	sdelay $0x4  }
0x65: {  	v35 =	vshrl.u32 v3, $0x3  }
0x66: {  	v4 =	vmul.u32 $0x30, v35  }
0x67: {  	v3 =	vand.u32 $0x7, v3  }
0x68: {  	v3 =	vor.u32 v3, v4  }
0x69: {  	v4 =	vperm.xlane v3, v0;
	_ =	sdelay $0x1  }
0x6a: {  	v4 =	vadd.s32 v1, v4;
	_ =	sdelay $0x3  }
0x6b: {  	s29 =	simm.s32 $0x9200;
	v3 =	vperm.xlane v3, v2  }
0x6c: {  	[tilespmem:s29], [sflag:$0x2] =	stream.indirect_vreg.gather [hbm4b:s1+s3], $0x80, v4, vm0, $0xb8;
	[tilespmem:$0x18600] =	vst v63  }
0x6d: {  	s30 =	simm.s32 $0x9A00;
	v3 =	vadd.s32 v1, v3  }
0x6e: {  	[tilespmem:s30], [sflag:$0x2] =	stream.indirect_vreg.gather [hbm4b:s6+s3], $0x80, v4, vm0, $0xb8;
	[tilespmem:$0x18600] =	vst v63  }
0x6f: {  	s2 =	simm.s32 $0xA200  }
0x70: {  	[tilespmem:s2], [sflag:$0x2] =	stream.indirect_vreg.gather [hbm4b:s7+s3], $0x80, v4, vm0, $0xb8;
	[tilespmem:$0x18600] =	vst v63  }
0x71: {  	s4 =	simm.s32 $0xAA00  }
0x72: {  	[tilespmem:s4], [sflag:$0x2] =	stream.indirect_vreg.gather [hbm4b:s1+s3], $0x80, v3, vm0, $0xb8;
	[tilespmem:$0x18600] =	vst v63  }
0x73: {  	s5 =	simm.s32 $0xB200  }
0x74: {  	[tilespmem:s5], [sflag:$0x2] =	stream.indirect_vreg.gather [hbm4b:s6+s3], $0x80, v3, vm0, $0xb8;
	[tilespmem:$0x18600] =	vst v63  }
0x75: {  	s10 =	simm.s32 $0xBA00  }
0x76: {  	[tilespmem:s10], [sflag:$0x2] =	stream.indirect_vreg.gather [hbm4b:s7+s3], $0x80, v3, vm0, $0xb8;
	[tilespmem:$0x18600] =	vst v63  }
0x77: {  	v3 =	vld [tilespmem:$0x40];
	_ =	sdelay $0x4  }
0x78: {  	v36 =	vshrl.u32 v3, $0x3  }
0x79: {  	v4 =	vmul.u32 $0x30, v36  }
0x7a: {  	v3 =	vand.u32 $0x7, v3  }
0x7b: {  	v3 =	vor.u32 v3, v4  }
0x7c: {  	v4 =	vperm.xlane v3, v0;
	_ =	sdelay $0x1  }
0x7d: {  	v4 =	vadd.s32 v1, v4;
	_ =	sdelay $0x3  }
0x7e: {  	s25 =	simm.s32 $0xC200;
	v3 =	vperm.xlane v3, v2  }
0x7f: {  	[tilespmem:s25], [sflag:$0x3] =	stream.indirect_vreg.gather [hbm4b:s1+s3], $0x80, v4, vm0, $0xb8;
	[tilespmem:$0x18600] =	vst v63  }
0x80: {  	s30 =	simm.s32 $0xCA00;
	v3 =	vadd.s32 v1, v3  }
0x81: {  	[tilespmem:s30], [sflag:$0x3] =	stream.indirect_vreg.gather [hbm4b:s6+s3], $0x80, v4, vm0, $0xb8;
	[tilespmem:$0x18600] =	vst v63  }
0x82: {  	s2 =	simm.s32 $0xD200  }
0x83: {  	[tilespmem:s2], [sflag:$0x3] =	stream.indirect_vreg.gather [hbm4b:s7+s3], $0x80, v4, vm0, $0xb8;
	[tilespmem:$0x18600] =	vst v63  }
0x84: {  	s4 =	simm.s32 $0xDA00  }
0x85: {  	[tilespmem:s4], [sflag:$0x3] =	stream.indirect_vreg.gather [hbm4b:s1+s3], $0x80, v3, vm0, $0xb8;
	[tilespmem:$0x18600] =	vst v63  }
0x86: {  	s10 =	simm.s32 $0xE200  }
0x87: {  	[tilespmem:s10], [sflag:$0x3] =	stream.indirect_vreg.gather [hbm4b:s6+s3], $0x80, v3, vm0, $0xb8;
	[tilespmem:$0x18600] =	vst v63  }
0x88: {  	s25 =	simm.s32 $0xEA00  }
0x89: {  	[tilespmem:s25], [sflag:$0x3] =	stream.indirect_vreg.gather [hbm4b:s7+s3], $0x80, v3, vm0, $0xb8;
	[tilespmem:$0x18600] =	vst v63  }
0x8a: {  	v3 =	vld [tilespmem:$0x50];
	_ =	sdelay $0x4  }
0x8b: {  	v37 =	vshrl.u32 v3, $0x3  }
0x8c: {  	v4 =	vmul.u32 $0x30, v37  }
0x8d: {  	v3 =	vand.u32 $0x7, v3  }
0x8e: {  	v3 =	vor.u32 v3, v4  }
0x8f: {  	v4 =	vperm.xlane v3, v0;
	_ =	sdelay $0x1  }
0x90: {  	v4 =	vadd.s32 v1, v4;
	_ =	sdelay $0x3  }
0x91: {  	s30 =	simm.s32 $0xF200;
	v3 =	vperm.xlane v3, v2  }
0x92: {  	[tilespmem:s30], [sflag:$0x3] =	stream.indirect_vreg.gather [hbm4b:s1+s3], $0x80, v4, vm0, $0xb8;
	[tilespmem:$0x18600] =	vst v63  }
0x93: {  	s2 =	simm.s32 $0xFA00;
	v3 =	vadd.s32 v1, v3  }
0x94: {  	[tilespmem:s2], [sflag:$0x3] =	stream.indirect_vreg.gather [hbm4b:s6+s3], $0x80, v4, vm0, $0xb8;
	[tilespmem:$0x18600] =	vst v63  }
0x95: {  	s4 =	simm.s32 $0x10200  }
0x96: {  	[tilespmem:s4], [sflag:$0x3] =	stream.indirect_vreg.gather [hbm4b:s7+s3], $0x80, v4, vm0, $0xb8;
	[tilespmem:$0x18600] =	vst v63  }
0x97: {  	s10 =	simm.s32 $0x10A00  }
0x98: {  	[tilespmem:s10], [sflag:$0x3] =	stream.indirect_vreg.gather [hbm4b:s1+s3], $0x80, v3, vm0, $0xb8;
	[tilespmem:$0x18600] =	vst v63  }
0x99: {  	s25 =	simm.s32 $0x11200  }
0x9a: {  	[tilespmem:s25], [sflag:$0x3] =	stream.indirect_vreg.gather [hbm4b:s6+s3], $0x80, v3, vm0, $0xb8;
	[tilespmem:$0x18600] =	vst v63  }
0x9b: {  	s2 =	simm.s32 $0x11A00  }
0x9c: {  	[tilespmem:s2], [sflag:$0x3] =	stream.indirect_vreg.gather [hbm4b:s7+s3], $0x80, v3, vm0, $0xb8;
	[tilespmem:$0x18600] =	vst v63  }
0x9d: {  	s30 =	rddreg [dreg:$0x7];
	s2 =	simm.s32 $0x18200  }
0x9e: {  	[tilespmem:s2], [sflag:$0x9] =	stream.linear.gather [hbm4b:s30+s3], $0x400, $0x38;
	[tilespmem:$0x18600] =	vst v63  }
0x9f: {  	_ =	swait.ge [sflag:s9], $0x400  }
0xa0: {  	s0 =	simm.s32 $0x80;
	[sflag:s9] =	ssyncset.done $0x0  }
0xa1: {  	s10 =	simm.s32 $0x400;
	s4 =	rddreg [dreg:$0x8];
	[sflag:s9] =	ssyncadd.s32 $0xFFFFFC00  }
0xa2: {  	[hbm4b:s4+s0] =	stream.strided.scatter [tilespmem:s2], [sflag:$0x9], $0x400, s10, s0, $0x38;
	[tilespmem:$0x18600] =	vst v63  }
0xa3: {  	_ =	swait.ge [sflag:s9], $0x400  }
0xa4: {  	[sflag:s9] =	ssyncset.done $0x0  }
0xa5: {  	s30 =	rddreg [dreg:$0x9];
	[sflag:s9] =	ssyncadd.s32 $0xFFFFFC00  }
0xa6: {  	[tilespmem:s2], [sflag:$0x9] =	stream.linear.gather [hbm4b:s30+s3], $0x400, $0x38;
	[tilespmem:$0x18600] =	vst v63  }
0xa7: {  	_ =	swait.ge [sflag:s9], $0x400  }
0xa8: {  	[sflag:s9] =	ssyncset.done $0x0  }
0xa9: {  	s4 =	rddreg [dreg:$0xa];
	[sflag:s9] =	ssyncadd.s32 $0xFFFFFC00  }
0xaa: {  	[hbm4b:s4+s0] =	stream.strided.scatter [tilespmem:s2], [sflag:$0x9], $0x400, s10, s0, $0x38;
	[tilespmem:$0x18600] =	vst v63  }
0xab: {  	_ =	swait.ge [sflag:s9], $0x400  }
0xac: {  	[sflag:s9] =	ssyncset.done $0x0  }
0xad: {  	s30 =	rddreg [dreg:$0xb];
	[sflag:s9] =	ssyncadd.s32 $0xFFFFFC00  }
0xae: {  	[tilespmem:s2], [sflag:$0x9] =	stream.linear.gather [hbm4b:s30+s3], $0x400, $0x38;
	[tilespmem:$0x18600] =	vst v63  }
0xaf: {  	_ =	swait.ge [sflag:s9], $0x400  }
0xb0: {  	[sflag:s9] =	ssyncset.done $0x0  }
0xb1: {  	s4 =	rddreg [dreg:$0xc];
	[sflag:s9] =	ssyncadd.s32 $0xFFFFFC00  }
0xb2: {  	[hbm4b:s4+s0] =	stream.strided.scatter [tilespmem:s2], [sflag:$0x9], $0x400, s10, s0, $0x38;
	[tilespmem:$0x18600] =	vst v63  }
0xb3: {  	_ =	swait.ge [sflag:s9], $0x400  }
0xb4: {  	[sflag:s9] =	ssyncset.done $0x0  }
0xb5: {  	s30 =	rddreg [dreg:$0xd];
	[sflag:s9] =	ssyncadd.s32 $0xFFFFFC00  }
0xb6: {  	[tilespmem:s2], [sflag:$0x9] =	stream.linear.gather [hbm4b:s30+s3], $0x400, $0x38;
	[tilespmem:$0x18600] =	vst v63  }
0xb7: {  	_ =	swait.ge [sflag:s9], $0x400  }
0xb8: {  	[sflag:s9] =	ssyncset.done $0x0  }
0xb9: {  	s4 =	rddreg [dreg:$0xe];
	[sflag:s9] =	ssyncadd.s32 $0xFFFFFC00  }
0xba: {  	[hbm4b:s4+s0] =	stream.strided.scatter [tilespmem:s2], [sflag:$0x9], $0x400, s10, s0, $0x38;
	[tilespmem:$0x18600] =	vst v63  }
0xbb: {  	_ =	swait.ge [sflag:s9], $0x400  }
0xbc: {  	[sflag:s9] =	ssyncset.done $0x0  }
0xbd: {  	[sflag:s9] =	ssyncadd.s32 $0xFFFFFC00  }
0xbe: {  	_ =	swait.ge [sflag:s31], $0x6000  }
0xbf: {  	[sflag:s31] =	ssyncset.done $0x0  }
0xc0: {  	s4 =	simm.s32 $0x200;
	s10 =	rddreg [dreg:$0x1d];
	[sflag:s31] =	ssyncadd.s32 $0xFFFFA000  }
0xc1: {  	[hbm4b:s10+s3] =	stream.linear.scatter [tilespmem:s4], [sflag:$0x5], $0x6000, $0x38;
	[tilespmem:$0x18600] =	vst v63  }
0xc2: {  	v3 =	vld [tilespmem:$0x60];
	_ =	sdelay $0x4  }
0xc3: {  	v38 =	vshrl.u32 v3, $0x3  }
0xc4: {  	v4 =	vmul.u32 $0x30, v38  }
0xc5: {  	v3 =	vand.u32 $0x7, v3  }
0xc6: {  	v3 =	vor.u32 v3, v4  }
0xc7: {  	v4 =	vperm.xlane v3, v0;
	_ =	sdelay $0x1  }
0xc8: {  	v4 =	vadd.s32 v1, v4;
	_ =	sdelay $0x3  }
0xc9: {  	s0 =	simm.s32 $0x12200;
	v3 =	vperm.xlane v3, v2  }
0xca: {  	[tilespmem:s0], [sflag:$0x4] =	stream.indirect_vreg.gather [hbm4b:s1+s3], $0x80, v4, vm0, $0xb8;
	[tilespmem:$0x18600] =	vst v63  }
0xcb: {  	s25 =	simm.s32 $0x12A00;
	v3 =	vadd.s32 v1, v3  }
0xcc: {  	[tilespmem:s25], [sflag:$0x4] =	stream.indirect_vreg.gather [hbm4b:s6+s3], $0x80, v4, vm0, $0xb8;
	[tilespmem:$0x18600] =	vst v63  }
0xcd: {  	s30 =	simm.s32 $0x13200  }
0xce: {  	[tilespmem:s30], [sflag:$0x4] =	stream.indirect_vreg.gather [hbm4b:s7+s3], $0x80, v4, vm0, $0xb8;
	[tilespmem:$0x18600] =	vst v63  }
0xcf: {  	s10 =	simm.s32 $0x13A00  }
0xd0: {  	[tilespmem:s10], [sflag:$0x4] =	stream.indirect_vreg.gather [hbm4b:s1+s3], $0x80, v3, vm0, $0xb8;
	[tilespmem:$0x18600] =	vst v63  }
0xd1: {  	s25 =	simm.s32 $0x14200  }
0xd2: {  	[tilespmem:s25], [sflag:$0x4] =	stream.indirect_vreg.gather [hbm4b:s6+s3], $0x80, v3, vm0, $0xb8;
	[tilespmem:$0x18600] =	vst v63  }
0xd3: {  	s30 =	simm.s32 $0x14A00  }
0xd4: {  	[tilespmem:s30], [sflag:$0x4] =	stream.indirect_vreg.gather [hbm4b:s7+s3], $0x80, v3, vm0, $0xb8;
	[tilespmem:$0x18600] =	vst v63  }
0xd5: {  	v3 =	vld [tilespmem:$0x70];
	_ =	sdelay $0x4  }
0xd6: {  	v39 =	vshrl.u32 v3, $0x3  }
0xd7: {  	v4 =	vmul.u32 $0x30, v39  }
0xd8: {  	v3 =	vand.u32 $0x7, v3  }
0xd9: {  	v3 =	vor.u32 v3, v4  }
0xda: {  	v4 =	vperm.xlane v3, v0;
	_ =	sdelay $0x1  }
0xdb: {  	v4 =	vadd.s32 v1, v4;
	_ =	sdelay $0x3  }
0xdc: {  	s10 =	simm.s32 $0x15200;
	v3 =	vperm.xlane v3, v2  }
0xdd: {  	[tilespmem:s10], [sflag:$0x4] =	stream.indirect_vreg.gather [hbm4b:s1+s3], $0x80, v4, vm0, $0xb8;
	[tilespmem:$0x18600] =	vst v63  }
0xde: {  	s25 =	simm.s32 $0x15A00;
	v3 =	vadd.s32 v1, v3  }
0xdf: {  	[tilespmem:s25], [sflag:$0x4] =	stream.indirect_vreg.gather [hbm4b:s6+s3], $0x80, v4, vm0, $0xb8;
	[tilespmem:$0x18600] =	vst v63  }
0xe0: {  	s30 =	simm.s32 $0x16200  }
0xe1: {  	[tilespmem:s30], [sflag:$0x4] =	stream.indirect_vreg.gather [hbm4b:s7+s3], $0x80, v4, vm0, $0xb8;
	[tilespmem:$0x18600] =	vst v63  }
0xe2: {  	s10 =	simm.s32 $0x16A00  }
0xe3: {  	[tilespmem:s10], [sflag:$0x4] =	stream.indirect_vreg.gather [hbm4b:s1+s3], $0x80, v3, vm0, $0xb8;
	[tilespmem:$0x18600] =	vst v63  }
0xe4: {  	s25 =	simm.s32 $0x17200  }
0xe5: {  	[tilespmem:s25], [sflag:$0x4] =	stream.indirect_vreg.gather [hbm4b:s6+s3], $0x80, v3, vm0, $0xb8;
	[tilespmem:$0x18600] =	vst v63  }
0xe6: {  	s30 =	simm.s32 $0x17A00  }
0xe7: {  	[tilespmem:s30], [sflag:$0x4] =	stream.indirect_vreg.gather [hbm4b:s7+s3], $0x80, v3, vm0, $0xb8;
	[tilespmem:$0x18600] =	vst v63  }
0xe8: {  	_ =	swait.ge [sflag:s16], $0x6000  }
0xe9: {  	[sflag:s16] =	ssyncset.done $0x0  }
0xea: {  	s2 =	simm.s32 $0x6200;
	s10 =	rddreg [dreg:$0xf];
	[sflag:s16] =	ssyncadd.s32 $0xFFFFA000  }
0xeb: {  	[hbm4b:s10+s3] =	stream.linear.scatter [tilespmem:s2], [sflag:$0x6], $0x6000, $0x38;
	[tilespmem:$0x18600] =	vst v63  }
0xec: {  	_ =	swait.ge [sflag:s17], $0x6000  }
0xed: {  	[sflag:s17] =	ssyncset.done $0x0  }
0xee: {  	[sflag:s17] =	ssyncadd.s32 $0xFFFFA000  }
0xef: {  	v3 =	vld [tilespmem:$0x80];
	_ =	sdelay $0x4  }
0xf0: {  	v40 =	vshrl.u32 v3, $0x3  }
0xf1: {  	v4 =	vmul.u32 $0x30, v40  }
0xf2: {  	v3 =	vand.u32 $0x7, v3  }
0xf3: {  	v3 =	vor.u32 v3, v4  }
0xf4: {  	v4 =	vperm.xlane v3, v0;
	_ =	sdelay $0x1  }
0xf5: {  	v4 =	vadd.s32 v1, v4;
	_ =	sdelay $0x3  }
0xf6: {  	v3 =	vperm.xlane v3, v2  }
0xf7: {  	[tilespmem:s4], [sflag:$0x1] =	stream.indirect_vreg.gather [hbm4b:s1+s3], $0x80, v4, vm0, $0xb8;
	[tilespmem:$0x18600] =	vst v63  }
0xf8: {  	s28 =	simm.s32 $0xA00;
	v3 =	vadd.s32 v1, v3  }
0xf9: {  	[tilespmem:s28], [sflag:$0x1] =	stream.indirect_vreg.gather [hbm4b:s6+s3], $0x80, v4, vm0, $0xb8;
	[tilespmem:$0x18600] =	vst v63  }
0xfa: {  	s26 =	simm.s32 $0x1200  }
0xfb: {  	[tilespmem:s26], [sflag:$0x1] =	stream.indirect_vreg.gather [hbm4b:s7+s3], $0x80, v4, vm0, $0xb8;
	[tilespmem:$0x18600] =	vst v63  }
0xfc: {  	s26 =	simm.s32 $0x1A00  }
0xfd: {  	[tilespmem:s26], [sflag:$0x1] =	stream.indirect_vreg.gather [hbm4b:s1+s3], $0x80, v3, vm0, $0xb8;
	[tilespmem:$0x18600] =	vst v63  }
0xfe: {  	s22 =	simm.s32 $0x2200  }
0xff: {  	[tilespmem:s22], [sflag:$0x1] =	stream.indirect_vreg.gather [hbm4b:s6+s3], $0x80, v3, vm0, $0xb8;
	[tilespmem:$0x18600] =	vst v63  }
0x100: {  	s23 =	simm.s32 $0x2A00  }
0x101: {  	[tilespmem:s23], [sflag:$0x1] =	stream.indirect_vreg.gather [hbm4b:s7+s3], $0x80, v3, vm0, $0xb8;
	[tilespmem:$0x18600] =	vst v63  }
0x102: {  	v3 =	vld [tilespmem:$0x90];
	_ =	sdelay $0x4  }
0x103: {  	v41 =	vshrl.u32 v3, $0x3  }
0x104: {  	v4 =	vmul.u32 $0x30, v41  }
0x105: {  	v3 =	vand.u32 $0x7, v3  }
0x106: {  	v3 =	vor.u32 v3, v4  }
0x107: {  	v4 =	vperm.xlane v3, v0;
	_ =	sdelay $0x1  }
0x108: {  	v4 =	vadd.s32 v1, v4;
	_ =	sdelay $0x3  }
0x109: {  	s30 =	simm.s32 $0x3200;
	v3 =	vperm.xlane v3, v2  }
0x10a: {  	[tilespmem:s30], [sflag:$0x1] =	stream.indirect_vreg.gather [hbm4b:s1+s3], $0x80, v4, vm0, $0xb8;
	[tilespmem:$0x18600] =	vst v63  }
0x10b: {  	s22 =	simm.s32 $0x3A00;
	v3 =	vadd.s32 v1, v3  }
0x10c: {  	[tilespmem:s22], [sflag:$0x1] =	stream.indirect_vreg.gather [hbm4b:s6+s3], $0x80, v4, vm0, $0xb8;
	[tilespmem:$0x18600] =	vst v63  }
0x10d: {  	s23 =	simm.s32 $0x4200  }
0x10e: {  	[tilespmem:s23], [sflag:$0x1] =	stream.indirect_vreg.gather [hbm4b:s7+s3], $0x80, v4, vm0, $0xb8;
	[tilespmem:$0x18600] =	vst v63  }
0x10f: {  	s25 =	simm.s32 $0x4A00  }
0x110: {  	[tilespmem:s25], [sflag:$0x1] =	stream.indirect_vreg.gather [hbm4b:s1+s3], $0x80, v3, vm0, $0xb8;
	[tilespmem:$0x18600] =	vst v63  }
0x111: {  	s28 =	simm.s32 $0x5200  }
0x112: {  	[tilespmem:s28], [sflag:$0x1] =	stream.indirect_vreg.gather [hbm4b:s6+s3], $0x80, v3, vm0, $0xb8;
	[tilespmem:$0x18600] =	vst v63  }
0x113: {  	s30 =	simm.s32 $0x5A00  }
0x114: {  	[tilespmem:s30], [sflag:$0x1] =	stream.indirect_vreg.gather [hbm4b:s7+s3], $0x80, v3, vm0, $0xb8;
	[tilespmem:$0x18600] =	vst v63  }
0x115: {  	_ =	swait.ge [sflag:s18], $0x6000  }
0x116: {  	[sflag:s18] =	ssyncset.done $0x0  }
0x117: {  	s22 =	simm.s32 $0xC200;
	s10 =	rddreg [dreg:$0x10];
	[sflag:s18] =	ssyncadd.s32 $0xFFFFA000  }
0x118: {  	[hbm4b:s10+s3] =	stream.linear.scatter [tilespmem:s22], [sflag:$0x7], $0x6000, $0x38;
	[tilespmem:$0x18600] =	vst v63  }
0x119: {  	_ =	swait.ge [sflag:s19], $0x6000  }
0x11a: {  	[sflag:s19] =	ssyncset.done $0x0  }
0x11b: {  	[sflag:s19] =	ssyncadd.s32 $0xFFFFA000  }
0x11c: {  	v3 =	vld [tilespmem:$0xA0];
	_ =	sdelay $0x4  }
0x11d: {  	v42 =	vshrl.u32 v3, $0x3  }
0x11e: {  	v4 =	vmul.u32 $0x30, v42  }
0x11f: {  	v3 =	vand.u32 $0x7, v3  }
0x120: {  	v3 =	vor.u32 v3, v4  }
0x121: {  	v4 =	vperm.xlane v3, v0;
	_ =	sdelay $0x1  }
0x122: {  	v4 =	vadd.s32 v1, v4;
	_ =	sdelay $0x3  }
0x123: {  	v3 =	vperm.xlane v3, v2  }
0x124: {  	[tilespmem:s2], [sflag:$0x2] =	stream.indirect_vreg.gather [hbm4b:s1+s3], $0x80, v4, vm0, $0xb8;
	[tilespmem:$0x18600] =	vst v63  }
0x125: {  	s23 =	simm.s32 $0x6A00;
	v3 =	vadd.s32 v1, v3  }
0x126: {  	[tilespmem:s23], [sflag:$0x2] =	stream.indirect_vreg.gather [hbm4b:s6+s3], $0x80, v4, vm0, $0xb8;
	[tilespmem:$0x18600] =	vst v63  }
0x127: {  	s25 =	simm.s32 $0x7200  }
0x128: {  	[tilespmem:s25], [sflag:$0x2] =	stream.indirect_vreg.gather [hbm4b:s7+s3], $0x80, v4, vm0, $0xb8;
	[tilespmem:$0x18600] =	vst v63  }
0x129: {  	s28 =	simm.s32 $0x7A00  }
0x12a: {  	[tilespmem:s28], [sflag:$0x2] =	stream.indirect_vreg.gather [hbm4b:s1+s3], $0x80, v3, vm0, $0xb8;
	[tilespmem:$0x18600] =	vst v63  }
0x12b: {  	s10 =	simm.s32 $0x8200  }
0x12c: {  	[tilespmem:s10], [sflag:$0x2] =	stream.indirect_vreg.gather [hbm4b:s6+s3], $0x80, v3, vm0, $0xb8;
	[tilespmem:$0x18600] =	vst v63  }
0x12d: {  	s15 =	simm.s32 $0x8A00  }
0x12e: {  	[tilespmem:s15], [sflag:$0x2] =	stream.indirect_vreg.gather [hbm4b:s7+s3], $0x80, v3, vm0, $0xb8;
	[tilespmem:$0x18600] =	vst v63  }
0x12f: {  	v3 =	vld [tilespmem:$0xB0];
	_ =	sdelay $0x4  }
0x130: {  	v43 =	vshrl.u32 v3, $0x3  }
0x131: {  	v4 =	vmul.u32 $0x30, v43  }
0x132: {  	v3 =	vand.u32 $0x7, v3  }
0x133: {  	v3 =	vor.u32 v3, v4  }
0x134: {  	v4 =	vperm.xlane v3, v0;
	_ =	sdelay $0x1  }
0x135: {  	v4 =	vadd.s32 v1, v4;
	_ =	sdelay $0x3  }
0x136: {  	s29 =	simm.s32 $0x9200;
	v3 =	vperm.xlane v3, v2  }
0x137: {  	[tilespmem:s29], [sflag:$0x2] =	stream.indirect_vreg.gather [hbm4b:s1+s3], $0x80, v4, vm0, $0xb8;
	[tilespmem:$0x18600] =	vst v63  }
0x138: {  	s11 =	simm.s32 $0x9A00;
	v3 =	vadd.s32 v1, v3  }
0x139: {  	[tilespmem:s11], [sflag:$0x2] =	stream.indirect_vreg.gather [hbm4b:s6+s3], $0x80, v4, vm0, $0xb8;
	[tilespmem:$0x18600] =	vst v63  }
0x13a: {  	s12 =	simm.s32 $0xA200  }
0x13b: {  	[tilespmem:s12], [sflag:$0x2] =	stream.indirect_vreg.gather [hbm4b:s7+s3], $0x80, v4, vm0, $0xb8;
	[tilespmem:$0x18600] =	vst v63  }
0x13c: {  	s13 =	simm.s32 $0xAA00  }
0x13d: {  	[tilespmem:s13], [sflag:$0x2] =	stream.indirect_vreg.gather [hbm4b:s1+s3], $0x80, v3, vm0, $0xb8;
	[tilespmem:$0x18600] =	vst v63  }
0x13e: {  	s14 =	simm.s32 $0xB200  }
0x13f: {  	[tilespmem:s14], [sflag:$0x2] =	stream.indirect_vreg.gather [hbm4b:s6+s3], $0x80, v3, vm0, $0xb8;
	[tilespmem:$0x18600] =	vst v63  }
0x140: {  	s5 =	simm.s32 $0xBA00  }
0x141: {  	[tilespmem:s5], [sflag:$0x2] =	stream.indirect_vreg.gather [hbm4b:s7+s3], $0x80, v3, vm0, $0xb8;
	[tilespmem:$0x18600] =	vst v63  }
0x142: {  	_ =	swait.ge [sflag:s20], $0x6000  }
0x143: {  	[sflag:s20] =	ssyncset.done $0x0  }
0x144: {  	s15 =	rddreg [dreg:$0x11];
	[sflag:s20] =	ssyncadd.s32 $0xFFFFA000  }
0x145: {  	[hbm4b:s15+s3] =	stream.linear.scatter [tilespmem:s0], [sflag:$0x8], $0x6000, $0x38;
	[tilespmem:$0x18600] =	vst v63  }
0x146: {  	_ =	swait.ge [sflag:s21], $0x6000  }
0x147: {  	[sflag:s21] =	ssyncset.done $0x0  }
0x148: {  	[sflag:s21] =	ssyncadd.s32 $0xFFFFA000  }
0x149: {  	v3 =	vld [tilespmem:$0xC0];
	_ =	sdelay $0x4  }
0x14a: {  	v44 =	vshrl.u32 v3, $0x3  }
0x14b: {  	v4 =	vmul.u32 $0x30, v44  }
0x14c: {  	v3 =	vand.u32 $0x7, v3  }
0x14d: {  	v3 =	vor.u32 v3, v4  }
0x14e: {  	v4 =	vperm.xlane v3, v0;
	_ =	sdelay $0x1  }
0x14f: {  	v4 =	vadd.s32 v1, v4;
	_ =	sdelay $0x3  }
0x150: {  	v3 =	vperm.xlane v3, v2  }
0x151: {  	[tilespmem:s22], [sflag:$0x3] =	stream.indirect_vreg.gather [hbm4b:s1+s3], $0x80, v4, vm0, $0xb8;
	[tilespmem:$0x18600] =	vst v63  }
0x152: {  	s23 =	simm.s32 $0xCA00;
	v3 =	vadd.s32 v1, v3  }
0x153: {  	[tilespmem:s23], [sflag:$0x3] =	stream.indirect_vreg.gather [hbm4b:s6+s3], $0x80, v4, vm0, $0xb8;
	[tilespmem:$0x18600] =	vst v63  }
0x154: {  	s25 =	simm.s32 $0xD200  }
0x155: {  	[tilespmem:s25], [sflag:$0x3] =	stream.indirect_vreg.gather [hbm4b:s7+s3], $0x80, v4, vm0, $0xb8;
	[tilespmem:$0x18600] =	vst v63  }
0x156: {  	s28 =	simm.s32 $0xDA00  }
0x157: {  	[tilespmem:s28], [sflag:$0x3] =	stream.indirect_vreg.gather [hbm4b:s1+s3], $0x80, v3, vm0, $0xb8;
	[tilespmem:$0x18600] =	vst v63  }
0x158: {  	s29 =	simm.s32 $0xE200  }
0x159: {  	[tilespmem:s29], [sflag:$0x3] =	stream.indirect_vreg.gather [hbm4b:s6+s3], $0x80, v3, vm0, $0xb8;
	[tilespmem:$0x18600] =	vst v63  }
0x15a: {  	s5 =	simm.s32 $0xEA00  }
0x15b: {  	[tilespmem:s5], [sflag:$0x3] =	stream.indirect_vreg.gather [hbm4b:s7+s3], $0x80, v3, vm0, $0xb8;
	[tilespmem:$0x18600] =	vst v63  }
0x15c: {  	v3 =	vld [tilespmem:$0xD0];
	_ =	sdelay $0x4  }
0x15d: {  	v45 =	vshrl.u32 v3, $0x3  }
0x15e: {  	v4 =	vmul.u32 $0x30, v45  }
0x15f: {  	v3 =	vand.u32 $0x7, v3  }
0x160: {  	v3 =	vor.u32 v3, v4  }
0x161: {  	v4 =	vperm.xlane v3, v0;
	_ =	sdelay $0x1  }
0x162: {  	v4 =	vadd.s32 v1, v4;
	_ =	sdelay $0x3  }
0x163: {  	s10 =	simm.s32 $0xF200;
	v3 =	vperm.xlane v3, v2  }
0x164: {  	[tilespmem:s10], [sflag:$0x3] =	stream.indirect_vreg.gather [hbm4b:s1+s3], $0x80, v4, vm0, $0xb8;
	[tilespmem:$0x18600] =	vst v63  }
0x165: {  	s11 =	simm.s32 $0xFA00;
	v3 =	vadd.s32 v1, v3  }
0x166: {  	[tilespmem:s11], [sflag:$0x3] =	stream.indirect_vreg.gather [hbm4b:s6+s3], $0x80, v4, vm0, $0xb8;
	[tilespmem:$0x18600] =	vst v63  }
0x167: {  	s12 =	simm.s32 $0x10200  }
0x168: {  	[tilespmem:s12], [sflag:$0x3] =	stream.indirect_vreg.gather [hbm4b:s7+s3], $0x80, v4, vm0, $0xb8;
	[tilespmem:$0x18600] =	vst v63  }
0x169: {  	s13 =	simm.s32 $0x10A00  }
0x16a: {  	[tilespmem:s13], [sflag:$0x3] =	stream.indirect_vreg.gather [hbm4b:s1+s3], $0x80, v3, vm0, $0xb8;
	[tilespmem:$0x18600] =	vst v63  }
0x16b: {  	s14 =	simm.s32 $0x11200  }
0x16c: {  	[tilespmem:s14], [sflag:$0x3] =	stream.indirect_vreg.gather [hbm4b:s6+s3], $0x80, v3, vm0, $0xb8;
	[tilespmem:$0x18600] =	vst v63  }
0x16d: {  	s15 =	simm.s32 $0x11A00  }
0x16e: {  	[tilespmem:s15], [sflag:$0x3] =	stream.indirect_vreg.gather [hbm4b:s7+s3], $0x80, v3, vm0, $0xb8;
	[tilespmem:$0x18600] =	vst v63  }
0x16f: {  	_ =	swait.ge [sflag:s31], $0x6000  }
0x170: {  	[sflag:s31] =	ssyncset.done $0x0  }
0x171: {  	s4 =	simm.s32 $0x200;
	s23 =	rddreg [dreg:$0x12];
	[sflag:s31] =	ssyncadd.s32 $0xFFFFA000  }
0x172: {  	[hbm4b:s23+s3] =	stream.linear.scatter [tilespmem:s4], [sflag:$0x5], $0x6000, $0x38;
	[tilespmem:$0x18600] =	vst v63  }
0x173: {  	_ =	swait.ge [sflag:s24], $0x6000  }
0x174: {  	[sflag:s24] =	ssyncset.done $0x0  }
0x175: {  	[sflag:s24] =	ssyncadd.s32 $0xFFFFA000  }
0x176: {  	v3 =	vld [tilespmem:$0xE0];
	_ =	sdelay $0x4  }
0x177: {  	v46 =	vshrl.u32 v3, $0x3  }
0x178: {  	v4 =	vmul.u32 $0x30, v46  }
0x179: {  	v3 =	vand.u32 $0x7, v3  }
0x17a: {  	v3 =	vor.u32 v3, v4  }
0x17b: {  	v4 =	vperm.xlane v3, v0;
	_ =	sdelay $0x1  }
0x17c: {  	v4 =	vadd.s32 v1, v4;
	_ =	sdelay $0x3  }
0x17d: {  	v3 =	vperm.xlane v3, v2  }
0x17e: {  	[tilespmem:s0], [sflag:$0x4] =	stream.indirect_vreg.gather [hbm4b:s1+s3], $0x80, v4, vm0, $0xb8;
	[tilespmem:$0x18600] =	vst v63  }
0x17f: {  	s2 =	simm.s32 $0x12A00;
	v3 =	vadd.s32 v1, v3  }
0x180: {  	[tilespmem:s2], [sflag:$0x4] =	stream.indirect_vreg.gather [hbm4b:s6+s3], $0x80, v4, vm0, $0xb8;
	[tilespmem:$0x18600] =	vst v63  }
0x181: {  	s5 =	simm.s32 $0x13200  }
0x182: {  	[tilespmem:s5], [sflag:$0x4] =	stream.indirect_vreg.gather [hbm4b:s7+s3], $0x80, v4, vm0, $0xb8;
	[tilespmem:$0x18600] =	vst v63  }
0x183: {  	s10 =	simm.s32 $0x13A00  }
0x184: {  	[tilespmem:s10], [sflag:$0x4] =	stream.indirect_vreg.gather [hbm4b:s1+s3], $0x80, v3, vm0, $0xb8;
	[tilespmem:$0x18600] =	vst v63  }
0x185: {  	s11 =	simm.s32 $0x14200  }
0x186: {  	[tilespmem:s11], [sflag:$0x4] =	stream.indirect_vreg.gather [hbm4b:s6+s3], $0x80, v3, vm0, $0xb8;
	[tilespmem:$0x18600] =	vst v63  }
0x187: {  	s23 =	simm.s32 $0x14A00  }
0x188: {  	[tilespmem:s23], [sflag:$0x4] =	stream.indirect_vreg.gather [hbm4b:s7+s3], $0x80, v3, vm0, $0xb8;
	[tilespmem:$0x18600] =	vst v63  }
0x189: {  	v3 =	vld [tilespmem:$0xF0];
	_ =	sdelay $0x4  }
0x18a: {  	v47 =	vshrl.u32 v3, $0x3  }
0x18b: {  	v4 =	vmul.u32 $0x30, v47  }
0x18c: {  	v3 =	vand.u32 $0x7, v3  }
0x18d: {  	v3 =	vor.u32 v3, v4  }
0x18e: {  	v4 =	vperm.xlane v3, v0;
	_ =	sdelay $0x1  }
0x18f: {  	v4 =	vadd.s32 v1, v4;
	_ =	sdelay $0x3  }
0x190: {  	s28 =	simm.s32 $0x15200;
	v3 =	vperm.xlane v3, v2  }
0x191: {  	[tilespmem:s28], [sflag:$0x4] =	stream.indirect_vreg.gather [hbm4b:s1+s3], $0x80, v4, vm0, $0xb8;
	[tilespmem:$0x18600] =	vst v63  }
0x192: {  	s12 =	simm.s32 $0x15A00;
	v3 =	vadd.s32 v1, v3  }
0x193: {  	[tilespmem:s12], [sflag:$0x4] =	stream.indirect_vreg.gather [hbm4b:s6+s3], $0x80, v4, vm0, $0xb8;
	[tilespmem:$0x18600] =	vst v63  }
0x194: {  	s13 =	simm.s32 $0x16200  }
0x195: {  	[tilespmem:s13], [sflag:$0x4] =	stream.indirect_vreg.gather [hbm4b:s7+s3], $0x80, v4, vm0, $0xb8;
	[tilespmem:$0x18600] =	vst v63  }
0x196: {  	s14 =	simm.s32 $0x16A00  }
0x197: {  	[tilespmem:s14], [sflag:$0x4] =	stream.indirect_vreg.gather [hbm4b:s1+s3], $0x80, v3, vm0, $0xb8;
	[tilespmem:$0x18600] =	vst v63  }
0x198: {  	s15 =	simm.s32 $0x17200  }
0x199: {  	[tilespmem:s15], [sflag:$0x4] =	stream.indirect_vreg.gather [hbm4b:s6+s3], $0x80, v3, vm0, $0xb8;
	[tilespmem:$0x18600] =	vst v63  }
0x19a: {  	s29 =	simm.s32 $0x17A00  }
0x19b: {  	[tilespmem:s29], [sflag:$0x4] =	stream.indirect_vreg.gather [hbm4b:s7+s3], $0x80, v3, vm0, $0xb8;
	[tilespmem:$0x18600] =	vst v63  }
0x19c: {  	_ =	swait.ge [sflag:s16], $0x6000  }
0x19d: {  	[sflag:s16] =	ssyncset.done $0x0  }
0x19e: {  	s30 =	simm.s32 $0x6200;
	s25 =	rddreg [dreg:$0x13];
	[sflag:s16] =	ssyncadd.s32 $0xFFFFA000  }
0x19f: {  	[hbm4b:s25+s3] =	stream.linear.scatter [tilespmem:s30], [sflag:$0x6], $0x6000, $0x38;
	[tilespmem:$0x18600] =	vst v63  }
0x1a0: {  	_ =	swait.ge [sflag:s17], $0x6000  }
0x1a1: {  	[sflag:s17] =	ssyncset.done $0x0  }
0x1a2: {  	[sflag:s17] =	ssyncadd.s32 $0xFFFFA000  }
0x1a3: {  	v3 =	vld [tilespmem:$0x100];
	_ =	sdelay $0x4  }
0x1a4: {  	v48 =	vshrl.u32 v3, $0x3  }
0x1a5: {  	v4 =	vmul.u32 $0x30, v48  }
0x1a6: {  	v3 =	vand.u32 $0x7, v3  }
0x1a7: {  	v3 =	vor.u32 v3, v4  }
0x1a8: {  	v4 =	vperm.xlane v3, v0;
	_ =	sdelay $0x1  }
0x1a9: {  	v4 =	vadd.s32 v1, v4;
	_ =	sdelay $0x3  }
0x1aa: {  	v3 =	vperm.xlane v3, v2  }
0x1ab: {  	[tilespmem:s4], [sflag:$0x1] =	stream.indirect_vreg.gather [hbm4b:s1+s3], $0x80, v4, vm0, $0xb8;
	[tilespmem:$0x18600] =	vst v63  }
0x1ac: {  	s25 =	simm.s32 $0xA00;
	v3 =	vadd.s32 v1, v3  }
0x1ad: {  	[tilespmem:s25], [sflag:$0x1] =	stream.indirect_vreg.gather [hbm4b:s6+s3], $0x80, v4, vm0, $0xb8;
	[tilespmem:$0x18600] =	vst v63  }
0x1ae: {  	s25 =	simm.s32 $0x1200  }
0x1af: {  	[tilespmem:s25], [sflag:$0x1] =	stream.indirect_vreg.gather [hbm4b:s7+s3], $0x80, v4, vm0, $0xb8;
	[tilespmem:$0x18600] =	vst v63  }
0x1b0: {  	_ = 	snop  }
0x1b1: {  	[tilespmem:s26], [sflag:$0x1] =	stream.indirect_vreg.gather [hbm4b:s1+s3], $0x80, v3, vm0, $0xb8;
	[tilespmem:$0x18600] =	vst v63  }
0x1b2: {  	s25 =	simm.s32 $0x2200  }
0x1b3: {  	[tilespmem:s25], [sflag:$0x1] =	stream.indirect_vreg.gather [hbm4b:s6+s3], $0x80, v3, vm0, $0xb8;
	[tilespmem:$0x18600] =	vst v63  }
0x1b4: {  	s26 =	simm.s32 $0x2A00  }
0x1b5: {  	[tilespmem:s26], [sflag:$0x1] =	stream.indirect_vreg.gather [hbm4b:s7+s3], $0x80, v3, vm0, $0xb8;
	[tilespmem:$0x18600] =	vst v63  }
0x1b6: {  	v3 =	vld [tilespmem:$0x110];
	_ =	sdelay $0x4  }
0x1b7: {  	v49 =	vshrl.u32 v3, $0x3  }
0x1b8: {  	v4 =	vmul.u32 $0x30, v49  }
0x1b9: {  	v3 =	vand.u32 $0x7, v3  }
0x1ba: {  	v3 =	vor.u32 v3, v4  }
0x1bb: {  	v4 =	vperm.xlane v3, v0;
	_ =	sdelay $0x1  }
0x1bc: {  	v4 =	vadd.s32 v1, v4;
	_ =	sdelay $0x3  }
0x1bd: {  	s25 =	simm.s32 $0x3200;
	v3 =	vperm.xlane v3, v2  }
0x1be: {  	[tilespmem:s25], [sflag:$0x1] =	stream.indirect_vreg.gather [hbm4b:s1+s3], $0x80, v4, vm0, $0xb8;
	[tilespmem:$0x18600] =	vst v63  }
0x1bf: {  	s26 =	simm.s32 $0x3A00;
	v3 =	vadd.s32 v1, v3  }
0x1c0: {  	[tilespmem:s26], [sflag:$0x1] =	stream.indirect_vreg.gather [hbm4b:s6+s3], $0x80, v4, vm0, $0xb8;
	[tilespmem:$0x18600] =	vst v63  }
0x1c1: {  	s25 =	simm.s32 $0x4200  }
0x1c2: {  	[tilespmem:s25], [sflag:$0x1] =	stream.indirect_vreg.gather [hbm4b:s7+s3], $0x80, v4, vm0, $0xb8;
	[tilespmem:$0x18600] =	vst v63  }
0x1c3: {  	s26 =	simm.s32 $0x4A00  }
0x1c4: {  	[tilespmem:s26], [sflag:$0x1] =	stream.indirect_vreg.gather [hbm4b:s1+s3], $0x80, v3, vm0, $0xb8;
	[tilespmem:$0x18600] =	vst v63  }
0x1c5: {  	s25 =	simm.s32 $0x5200  }
0x1c6: {  	[tilespmem:s25], [sflag:$0x1] =	stream.indirect_vreg.gather [hbm4b:s6+s3], $0x80, v3, vm0, $0xb8;
	[tilespmem:$0x18600] =	vst v63  }
0x1c7: {  	s26 =	simm.s32 $0x5A00  }
0x1c8: {  	[tilespmem:s26], [sflag:$0x1] =	stream.indirect_vreg.gather [hbm4b:s7+s3], $0x80, v3, vm0, $0xb8;
	[tilespmem:$0x18600] =	vst v63  }
0x1c9: {  	_ =	swait.ge [sflag:s18], $0x6000  }
0x1ca: {  	[sflag:s18] =	ssyncset.done $0x0  }
0x1cb: {  	s22 =	simm.s32 $0xC200;
	s4 =	rddreg [dreg:$0x14];
	[sflag:s18] =	ssyncadd.s32 $0xFFFFA000  }
0x1cc: {  	[hbm4b:s4+s3] =	stream.linear.scatter [tilespmem:s22], [sflag:$0x7], $0x6000, $0x38;
	[tilespmem:$0x18600] =	vst v63  }
0x1cd: {  	_ =	swait.ge [sflag:s19], $0x6000  }
0x1ce: {  	[sflag:s19] =	ssyncset.done $0x0  }
0x1cf: {  	[sflag:s19] =	ssyncadd.s32 $0xFFFFA000  }
0x1d0: {  	v3 =	vld [tilespmem:$0x120];
	_ =	sdelay $0x4  }
0x1d1: {  	v50 =	vshrl.u32 v3, $0x3  }
0x1d2: {  	v4 =	vmul.u32 $0x30, v50  }
0x1d3: {  	v3 =	vand.u32 $0x7, v3  }
0x1d4: {  	v3 =	vor.u32 v3, v4  }
0x1d5: {  	v4 =	vperm.xlane v3, v0;
	_ =	sdelay $0x1  }
0x1d6: {  	v4 =	vadd.s32 v1, v4;
	_ =	sdelay $0x3  }
0x1d7: {  	v3 =	vperm.xlane v3, v2  }
0x1d8: {  	[tilespmem:s30], [sflag:$0x2] =	stream.indirect_vreg.gather [hbm4b:s1+s3], $0x80, v4, vm0, $0xb8;
	[tilespmem:$0x18600] =	vst v63  }
0x1d9: {  	s26 =	simm.s32 $0x6A00;
	v3 =	vadd.s32 v1, v3  }
0x1da: {  	[tilespmem:s26], [sflag:$0x2] =	stream.indirect_vreg.gather [hbm4b:s6+s3], $0x80, v4, vm0, $0xb8;
	[tilespmem:$0x18600] =	vst v63  }
0x1db: {  	s30 =	simm.s32 $0x7200  }
0x1dc: {  	[tilespmem:s30], [sflag:$0x2] =	stream.indirect_vreg.gather [hbm4b:s7+s3], $0x80, v4, vm0, $0xb8;
	[tilespmem:$0x18600] =	vst v63  }
0x1dd: {  	s25 =	simm.s32 $0x7A00  }
0x1de: {  	[tilespmem:s25], [sflag:$0x2] =	stream.indirect_vreg.gather [hbm4b:s1+s3], $0x80, v3, vm0, $0xb8;
	[tilespmem:$0x18600] =	vst v63  }
0x1df: {  	s26 =	simm.s32 $0x8200  }
0x1e0: {  	[tilespmem:s26], [sflag:$0x2] =	stream.indirect_vreg.gather [hbm4b:s6+s3], $0x80, v3, vm0, $0xb8;
	[tilespmem:$0x18600] =	vst v63  }
0x1e1: {  	s30 =	simm.s32 $0x8A00  }
0x1e2: {  	[tilespmem:s30], [sflag:$0x2] =	stream.indirect_vreg.gather [hbm4b:s7+s3], $0x80, v3, vm0, $0xb8;
	[tilespmem:$0x18600] =	vst v63  }
0x1e3: {  	v3 =	vld [tilespmem:$0x130];
	_ =	sdelay $0x4  }
0x1e4: {  	v51 =	vshrl.u32 v3, $0x3  }
0x1e5: {  	v4 =	vmul.u32 $0x30, v51  }
0x1e6: {  	v3 =	vand.u32 $0x7, v3  }
0x1e7: {  	v3 =	vor.u32 v3, v4  }
0x1e8: {  	v4 =	vperm.xlane v3, v0;
	_ =	sdelay $0x1  }
0x1e9: {  	v4 =	vadd.s32 v1, v4;
	_ =	sdelay $0x3  }
0x1ea: {  	s25 =	simm.s32 $0x9200;
	v3 =	vperm.xlane v3, v2  }
0x1eb: {  	[tilespmem:s25], [sflag:$0x2] =	stream.indirect_vreg.gather [hbm4b:s1+s3], $0x80, v4, vm0, $0xb8;
	[tilespmem:$0x18600] =	vst v63  }
0x1ec: {  	s26 =	simm.s32 $0x9A00;
	v3 =	vadd.s32 v1, v3  }
0x1ed: {  	[tilespmem:s26], [sflag:$0x2] =	stream.indirect_vreg.gather [hbm4b:s6+s3], $0x80, v4, vm0, $0xb8;
	[tilespmem:$0x18600] =	vst v63  }
0x1ee: {  	s30 =	simm.s32 $0xA200  }
0x1ef: {  	[tilespmem:s30], [sflag:$0x2] =	stream.indirect_vreg.gather [hbm4b:s7+s3], $0x80, v4, vm0, $0xb8;
	[tilespmem:$0x18600] =	vst v63  }
0x1f0: {  	s25 =	simm.s32 $0xAA00  }
0x1f1: {  	[tilespmem:s25], [sflag:$0x2] =	stream.indirect_vreg.gather [hbm4b:s1+s3], $0x80, v3, vm0, $0xb8;
	[tilespmem:$0x18600] =	vst v63  }
0x1f2: {  	s26 =	simm.s32 $0xB200  }
0x1f3: {  	[tilespmem:s26], [sflag:$0x2] =	stream.indirect_vreg.gather [hbm4b:s6+s3], $0x80, v3, vm0, $0xb8;
	[tilespmem:$0x18600] =	vst v63  }
0x1f4: {  	s30 =	simm.s32 $0xBA00  }
0x1f5: {  	[tilespmem:s30], [sflag:$0x2] =	stream.indirect_vreg.gather [hbm4b:s7+s3], $0x80, v3, vm0, $0xb8;
	[tilespmem:$0x18600] =	vst v63  }
0x1f6: {  	_ =	swait.ge [sflag:s20], $0x6000  }
0x1f7: {  	[sflag:s20] =	ssyncset.done $0x0  }
0x1f8: {  	s4 =	rddreg [dreg:$0x15];
	[sflag:s20] =	ssyncadd.s32 $0xFFFFA000  }
0x1f9: {  	[hbm4b:s4+s3] =	stream.linear.scatter [tilespmem:s0], [sflag:$0x8], $0x6000, $0x38;
	[tilespmem:$0x18600] =	vst v63  }
0x1fa: {  	_ =	swait.ge [sflag:s21], $0x6000  }
0x1fb: {  	[sflag:s21] =	ssyncset.done $0x0  }
0x1fc: {  	[sflag:s21] =	ssyncadd.s32 $0xFFFFA000  }
0x1fd: {  	v3 =	vld [tilespmem:$0x140];
	_ =	sdelay $0x4  }
0x1fe: {  	v52 =	vshrl.u32 v3, $0x3  }
0x1ff: {  	v4 =	vmul.u32 $0x30, v52  }
0x200: {  	v3 =	vand.u32 $0x7, v3  }
0x201: {  	v3 =	vor.u32 v3, v4  }
0x202: {  	v4 =	vperm.xlane v3, v0;
	_ =	sdelay $0x1  }
0x203: {  	v4 =	vadd.s32 v1, v4;
	_ =	sdelay $0x3  }
0x204: {  	v3 =	vperm.xlane v3, v2  }
0x205: {  	[tilespmem:s22], [sflag:$0x3] =	stream.indirect_vreg.gather [hbm4b:s1+s3], $0x80, v4, vm0, $0xb8;
	[tilespmem:$0x18600] =	vst v63  }
0x206: {  	s26 =	simm.s32 $0xCA00;
	v3 =	vadd.s32 v1, v3  }
0x207: {  	[tilespmem:s26], [sflag:$0x3] =	stream.indirect_vreg.gather [hbm4b:s6+s3], $0x80, v4, vm0, $0xb8;
	[tilespmem:$0x18600] =	vst v63  }
0x208: {  	s30 =	simm.s32 $0xD200  }
0x209: {  	[tilespmem:s30], [sflag:$0x3] =	stream.indirect_vreg.gather [hbm4b:s7+s3], $0x80, v4, vm0, $0xb8;
	[tilespmem:$0x18600] =	vst v63  }
0x20a: {  	s22 =	simm.s32 $0xDA00  }
0x20b: {  	[tilespmem:s22], [sflag:$0x3] =	stream.indirect_vreg.gather [hbm4b:s1+s3], $0x80, v3, vm0, $0xb8;
	[tilespmem:$0x18600] =	vst v63  }
0x20c: {  	s25 =	simm.s32 $0xE200  }
0x20d: {  	[tilespmem:s25], [sflag:$0x3] =	stream.indirect_vreg.gather [hbm4b:s6+s3], $0x80, v3, vm0, $0xb8;
	[tilespmem:$0x18600] =	vst v63  }
0x20e: {  	s26 =	simm.s32 $0xEA00  }
0x20f: {  	[tilespmem:s26], [sflag:$0x3] =	stream.indirect_vreg.gather [hbm4b:s7+s3], $0x80, v3, vm0, $0xb8;
	[tilespmem:$0x18600] =	vst v63  }
0x210: {  	v3 =	vld [tilespmem:$0x150];
	_ =	sdelay $0x4  }
0x211: {  	v53 =	vshrl.u32 v3, $0x3  }
0x212: {  	v4 =	vmul.u32 $0x30, v53  }
0x213: {  	v3 =	vand.u32 $0x7, v3  }
0x214: {  	v3 =	vor.u32 v3, v4  }
0x215: {  	v4 =	vperm.xlane v3, v0;
	_ =	sdelay $0x1  }
0x216: {  	v4 =	vadd.s32 v1, v4;
	_ =	sdelay $0x3  }
0x217: {  	s30 =	simm.s32 $0xF200;
	v3 =	vperm.xlane v3, v2  }
0x218: {  	[tilespmem:s30], [sflag:$0x3] =	stream.indirect_vreg.gather [hbm4b:s1+s3], $0x80, v4, vm0, $0xb8;
	[tilespmem:$0x18600] =	vst v63  }
0x219: {  	s26 =	simm.s32 $0xFA00;
	v3 =	vadd.s32 v1, v3  }
0x21a: {  	[tilespmem:s26], [sflag:$0x3] =	stream.indirect_vreg.gather [hbm4b:s6+s3], $0x80, v4, vm0, $0xb8;
	[tilespmem:$0x18600] =	vst v63  }
0x21b: {  	s30 =	simm.s32 $0x10200  }
0x21c: {  	[tilespmem:s30], [sflag:$0x3] =	stream.indirect_vreg.gather [hbm4b:s7+s3], $0x80, v4, vm0, $0xb8;
	[tilespmem:$0x18600] =	vst v63  }
0x21d: {  	s26 =	simm.s32 $0x10A00  }
0x21e: {  	[tilespmem:s26], [sflag:$0x3] =	stream.indirect_vreg.gather [hbm4b:s1+s3], $0x80, v3, vm0, $0xb8;
	[tilespmem:$0x18600] =	vst v63  }
0x21f: {  	s30 =	simm.s32 $0x11200  }
0x220: {  	[tilespmem:s30], [sflag:$0x3] =	stream.indirect_vreg.gather [hbm4b:s6+s3], $0x80, v3, vm0, $0xb8;
	[tilespmem:$0x18600] =	vst v63  }
0x221: {  	s26 =	simm.s32 $0x11A00  }
0x222: {  	[tilespmem:s26], [sflag:$0x3] =	stream.indirect_vreg.gather [hbm4b:s7+s3], $0x80, v3, vm0, $0xb8;
	[tilespmem:$0x18600] =	vst v63  }
0x223: {  	_ =	swait.ge [sflag:s31], $0x6000  }
0x224: {  	[sflag:s31] =	ssyncset.done $0x0  }
0x225: {  	s26 =	simm.s32 $0x200;
	s25 =	rddreg [dreg:$0x1e];
	[sflag:s31] =	ssyncadd.s32 $0xFFFFA000  }
0x226: {  	[hbm4b:s25+s3] =	stream.linear.scatter [tilespmem:s26], [sflag:$0x5], $0x6000, $0x38;
	[tilespmem:$0x18600] =	vst v63  }
0x227: {  	_ =	swait.ge [sflag:s24], $0x6000  }
0x228: {  	[sflag:s24] =	ssyncset.done $0x0  }
0x229: {  	[sflag:s24] =	ssyncadd.s32 $0xFFFFA000  }
0x22a: {  	v3 =	vld [tilespmem:$0x160];
	_ =	sdelay $0x4  }
0x22b: {  	v54 =	vshrl.u32 v3, $0x3  }
0x22c: {  	v4 =	vmul.u32 $0x30, v54  }
0x22d: {  	v3 =	vand.u32 $0x7, v3  }
0x22e: {  	v3 =	vor.u32 v3, v4  }
0x22f: {  	v4 =	vperm.xlane v3, v0;
	_ =	sdelay $0x1  }
0x230: {  	v4 =	vadd.s32 v1, v4;
	_ =	sdelay $0x3  }
0x231: {  	v3 =	vperm.xlane v3, v2  }
0x232: {  	[tilespmem:s0], [sflag:$0x4] =	stream.indirect_vreg.gather [hbm4b:s1+s3], $0x80, v4, vm0, $0xb8;
	[tilespmem:$0x18600] =	vst v63  }
0x233: {  	v3 =	vadd.s32 v1, v3  }
0x234: {  	[tilespmem:s2], [sflag:$0x4] =	stream.indirect_vreg.gather [hbm4b:s6+s3], $0x80, v4, vm0, $0xb8;
	[tilespmem:$0x18600] =	vst v63  }
0x235: {  	_ = 	snop  }
0x236: {  	[tilespmem:s5], [sflag:$0x4] =	stream.indirect_vreg.gather [hbm4b:s7+s3], $0x80, v4, vm0, $0xb8;
	[tilespmem:$0x18600] =	vst v63  }
0x237: {  	_ = 	snop  }
0x238: {  	[tilespmem:s10], [sflag:$0x4] =	stream.indirect_vreg.gather [hbm4b:s1+s3], $0x80, v3, vm0, $0xb8;
	[tilespmem:$0x18600] =	vst v63  }
0x239: {  	_ = 	snop  }
0x23a: {  	[tilespmem:s11], [sflag:$0x4] =	stream.indirect_vreg.gather [hbm4b:s6+s3], $0x80, v3, vm0, $0xb8;
	[tilespmem:$0x18600] =	vst v63  }
0x23b: {  	_ = 	snop  }
0x23c: {  	[tilespmem:s23], [sflag:$0x4] =	stream.indirect_vreg.gather [hbm4b:s7+s3], $0x80, v3, vm0, $0xb8;
	[tilespmem:$0x18600] =	vst v63  }
0x23d: {  	v3 =	vld [tilespmem:$0x170];
	_ =	sdelay $0x4  }
0x23e: {  	v55 =	vshrl.u32 v3, $0x3  }
0x23f: {  	v4 =	vmul.u32 $0x30, v55  }
0x240: {  	v3 =	vand.u32 $0x7, v3  }
0x241: {  	v3 =	vor.u32 v3, v4  }
0x242: {  	v4 =	vperm.xlane v3, v0;
	_ =	sdelay $0x1  }
0x243: {  	v4 =	vadd.s32 v1, v4;
	_ =	sdelay $0x3  }
0x244: {  	v3 =	vperm.xlane v3, v2  }
0x245: {  	[tilespmem:s28], [sflag:$0x4] =	stream.indirect_vreg.gather [hbm4b:s1+s3], $0x80, v4, vm0, $0xb8;
	[tilespmem:$0x18600] =	vst v63  }
0x246: {  	v3 =	vadd.s32 v1, v3  }
0x247: {  	[tilespmem:s12], [sflag:$0x4] =	stream.indirect_vreg.gather [hbm4b:s6+s3], $0x80, v4, vm0, $0xb8;
	[tilespmem:$0x18600] =	vst v63  }
0x248: {  	_ = 	snop  }
0x249: {  	[tilespmem:s13], [sflag:$0x4] =	stream.indirect_vreg.gather [hbm4b:s7+s3], $0x80, v4, vm0, $0xb8;
	[tilespmem:$0x18600] =	vst v63  }
0x24a: {  	_ = 	snop  }
0x24b: {  	[tilespmem:s14], [sflag:$0x4] =	stream.indirect_vreg.gather [hbm4b:s1+s3], $0x80, v3, vm0, $0xb8;
	[tilespmem:$0x18600] =	vst v63  }
0x24c: {  	_ = 	snop  }
0x24d: {  	[tilespmem:s15], [sflag:$0x4] =	stream.indirect_vreg.gather [hbm4b:s6+s3], $0x80, v3, vm0, $0xb8;
	[tilespmem:$0x18600] =	vst v63  }
0x24e: {  	_ = 	snop  }
0x24f: {  	[tilespmem:s29], [sflag:$0x4] =	stream.indirect_vreg.gather [hbm4b:s7+s3], $0x80, v3, vm0, $0xb8;
	[tilespmem:$0x18600] =	vst v63  }
0x250: {  	_ =	swait.ge [sflag:s16], $0x6000  }
0x251: {  	[sflag:s16] =	ssyncset.done $0x0  }
0x252: {  	s28 =	simm.s32 $0x6200;
	s29 =	rddreg [dreg:$0x16];
	[sflag:s16] =	ssyncadd.s32 $0xFFFFA000  }
0x253: {  	[hbm4b:s29+s3] =	stream.linear.scatter [tilespmem:s28], [sflag:$0x6], $0x6000, $0x38;
	[tilespmem:$0x18600] =	vst v63  }
0x254: {  	_ =	swait.ge [sflag:s17], $0x6000  }
0x255: {  	[sflag:s17] =	ssyncset.done $0x0  }
0x256: {  	[sflag:s17] =	ssyncadd.s32 $0xFFFFA000  }
0x257: {  	v3 =	vld [tilespmem:$0x180];
	_ =	sdelay $0x4  }
0x258: {  	v56 =	vshrl.u32 v3, $0x3  }
0x259: {  	v4 =	vmul.u32 $0x30, v56  }
0x25a: {  	v3 =	vand.u32 $0x7, v3  }
0x25b: {  	v3 =	vor.u32 v3, v4  }
0x25c: {  	v4 =	vperm.xlane v3, v0;
	_ =	sdelay $0x1  }
0x25d: {  	v4 =	vadd.s32 v1, v4;
	_ =	sdelay $0x3  }
0x25e: {  	v3 =	vperm.xlane v3, v2  }
0x25f: {  	[tilespmem:s26], [sflag:$0x1] =	stream.indirect_vreg.gather [hbm4b:s1+s3], $0x80, v4, vm0, $0xb8;
	[tilespmem:$0x18600] =	vst v63  }
0x260: {  	v3 =	vadd.s32 v1, v3;
	s26 =	simm.s32 $0xA00  }
0x261: {  	[tilespmem:s26], [sflag:$0x1] =	stream.indirect_vreg.gather [hbm4b:s6+s3], $0x80, v4, vm0, $0xb8;
	[tilespmem:$0x18600] =	vst v63  }
0x262: {  	s26 =	simm.s32 $0x1200  }
0x263: {  	[tilespmem:s26], [sflag:$0x1] =	stream.indirect_vreg.gather [hbm4b:s7+s3], $0x80, v4, vm0, $0xb8;
	[tilespmem:$0x18600] =	vst v63  }
0x264: {  	s26 =	simm.s32 $0x1A00  }
0x265: {  	[tilespmem:s26], [sflag:$0x1] =	stream.indirect_vreg.gather [hbm4b:s1+s3], $0x80, v3, vm0, $0xb8;
	[tilespmem:$0x18600] =	vst v63  }
0x266: {  	s26 =	simm.s32 $0x2200  }
0x267: {  	[tilespmem:s26], [sflag:$0x1] =	stream.indirect_vreg.gather [hbm4b:s6+s3], $0x80, v3, vm0, $0xb8;
	[tilespmem:$0x18600] =	vst v63  }
0x268: {  	s26 =	simm.s32 $0x2A00  }
0x269: {  	[tilespmem:s26], [sflag:$0x1] =	stream.indirect_vreg.gather [hbm4b:s7+s3], $0x80, v3, vm0, $0xb8;
	[tilespmem:$0x18600] =	vst v63  }
0x26a: {  	v3 =	vld [tilespmem:$0x190];
	_ =	sdelay $0x4  }
0x26b: {  	v57 =	vshrl.u32 v3, $0x3  }
0x26c: {  	v4 =	vmul.u32 $0x30, v57  }
0x26d: {  	v3 =	vand.u32 $0x7, v3  }
0x26e: {  	v3 =	vor.u32 v3, v4  }
0x26f: {  	v4 =	vperm.xlane v3, v0;
	_ =	sdelay $0x1  }
0x270: {  	v4 =	vadd.s32 v1, v4;
	_ =	sdelay $0x3  }
0x271: {  	s26 =	simm.s32 $0x3200;
	v3 =	vperm.xlane v3, v2  }
0x272: {  	[tilespmem:s26], [sflag:$0x1] =	stream.indirect_vreg.gather [hbm4b:s1+s3], $0x80, v4, vm0, $0xb8;
	[tilespmem:$0x18600] =	vst v63  }
0x273: {  	v3 =	vadd.s32 v1, v3;
	s26 =	simm.s32 $0x3A00  }
0x274: {  	[tilespmem:s26], [sflag:$0x1] =	stream.indirect_vreg.gather [hbm4b:s6+s3], $0x80, v4, vm0, $0xb8;
	[tilespmem:$0x18600] =	vst v63  }
0x275: {  	s26 =	simm.s32 $0x4200  }
0x276: {  	[tilespmem:s26], [sflag:$0x1] =	stream.indirect_vreg.gather [hbm4b:s7+s3], $0x80, v4, vm0, $0xb8;
	[tilespmem:$0x18600] =	vst v63  }
0x277: {  	s26 =	simm.s32 $0x4A00  }
0x278: {  	[tilespmem:s26], [sflag:$0x1] =	stream.indirect_vreg.gather [hbm4b:s1+s3], $0x80, v3, vm0, $0xb8;
	[tilespmem:$0x18600] =	vst v63  }
0x279: {  	s26 =	simm.s32 $0x5200  }
0x27a: {  	[tilespmem:s26], [sflag:$0x1] =	stream.indirect_vreg.gather [hbm4b:s6+s3], $0x80, v3, vm0, $0xb8;
	[tilespmem:$0x18600] =	vst v63  }
0x27b: {  	s26 =	simm.s32 $0x5A00  }
0x27c: {  	[tilespmem:s26], [sflag:$0x1] =	stream.indirect_vreg.gather [hbm4b:s7+s3], $0x80, v3, vm0, $0xb8;
	[tilespmem:$0x18600] =	vst v63  }
0x27d: {  	_ =	swait.ge [sflag:s18], $0x6000  }
0x27e: {  	[sflag:s18] =	ssyncset.done $0x0  }
0x27f: {  	s26 =	simm.s32 $0xC200;
	s25 =	rddreg [dreg:$0x17];
	[sflag:s18] =	ssyncadd.s32 $0xFFFFA000  }
0x280: {  	[hbm4b:s25+s3] =	stream.linear.scatter [tilespmem:s26], [sflag:$0x7], $0x6000, $0x38;
	[tilespmem:$0x18600] =	vst v63  }
0x281: {  	_ =	swait.ge [sflag:s19], $0x6000  }
0x282: {  	[sflag:s19] =	ssyncset.done $0x0  }
0x283: {  	[sflag:s19] =	ssyncadd.s32 $0xFFFFA000  }
0x284: {  	v3 =	vld [tilespmem:$0x1A0];
	_ =	sdelay $0x4  }
0x285: {  	v58 =	vshrl.u32 v3, $0x3  }
0x286: {  	v4 =	vmul.u32 $0x30, v58  }
0x287: {  	v3 =	vand.u32 $0x7, v3  }
0x288: {  	v3 =	vor.u32 v3, v4  }
0x289: {  	v4 =	vperm.xlane v3, v0;
	_ =	sdelay $0x1  }
0x28a: {  	v4 =	vadd.s32 v1, v4;
	_ =	sdelay $0x3  }
0x28b: {  	v3 =	vperm.xlane v3, v2  }
0x28c: {  	[tilespmem:s28], [sflag:$0x2] =	stream.indirect_vreg.gather [hbm4b:s1+s3], $0x80, v4, vm0, $0xb8;
	[tilespmem:$0x18600] =	vst v63  }
0x28d: {  	s25 =	simm.s32 $0x6A00;
	v3 =	vadd.s32 v1, v3  }
0x28e: {  	[tilespmem:s25], [sflag:$0x2] =	stream.indirect_vreg.gather [hbm4b:s6+s3], $0x80, v4, vm0, $0xb8;
	[tilespmem:$0x18600] =	vst v63  }
0x28f: {  	s25 =	simm.s32 $0x7200  }
0x290: {  	[tilespmem:s25], [sflag:$0x2] =	stream.indirect_vreg.gather [hbm4b:s7+s3], $0x80, v4, vm0, $0xb8;
	[tilespmem:$0x18600] =	vst v63  }
0x291: {  	s25 =	simm.s32 $0x7A00  }
0x292: {  	[tilespmem:s25], [sflag:$0x2] =	stream.indirect_vreg.gather [hbm4b:s1+s3], $0x80, v3, vm0, $0xb8;
	[tilespmem:$0x18600] =	vst v63  }
0x293: {  	s25 =	simm.s32 $0x8200  }
0x294: {  	[tilespmem:s25], [sflag:$0x2] =	stream.indirect_vreg.gather [hbm4b:s6+s3], $0x80, v3, vm0, $0xb8;
	[tilespmem:$0x18600] =	vst v63  }
0x295: {  	s25 =	simm.s32 $0x8A00  }
0x296: {  	[tilespmem:s25], [sflag:$0x2] =	stream.indirect_vreg.gather [hbm4b:s7+s3], $0x80, v3, vm0, $0xb8;
	[tilespmem:$0x18600] =	vst v63  }
0x297: {  	v3 =	vld [tilespmem:$0x1B0];
	_ =	sdelay $0x4  }
0x298: {  	v59 =	vshrl.u32 v3, $0x3  }
0x299: {  	v4 =	vmul.u32 $0x30, v59  }
0x29a: {  	v3 =	vand.u32 $0x7, v3  }
0x29b: {  	v3 =	vor.u32 v3, v4  }
0x29c: {  	v4 =	vperm.xlane v3, v0;
	_ =	sdelay $0x1  }
0x29d: {  	v4 =	vadd.s32 v1, v4;
	_ =	sdelay $0x3  }
0x29e: {  	s25 =	simm.s32 $0x9200;
	v3 =	vperm.xlane v3, v2  }
0x29f: {  	[tilespmem:s25], [sflag:$0x2] =	stream.indirect_vreg.gather [hbm4b:s1+s3], $0x80, v4, vm0, $0xb8;
	[tilespmem:$0x18600] =	vst v63  }
0x2a0: {  	v3 =	vadd.s32 v1, v3;
	s25 =	simm.s32 $0x9A00  }
0x2a1: {  	[tilespmem:s25], [sflag:$0x2] =	stream.indirect_vreg.gather [hbm4b:s6+s3], $0x80, v4, vm0, $0xb8;
	[tilespmem:$0x18600] =	vst v63  }
0x2a2: {  	s25 =	simm.s32 $0xA200  }
0x2a3: {  	[tilespmem:s25], [sflag:$0x2] =	stream.indirect_vreg.gather [hbm4b:s7+s3], $0x80, v4, vm0, $0xb8;
	[tilespmem:$0x18600] =	vst v63  }
0x2a4: {  	s25 =	simm.s32 $0xAA00  }
0x2a5: {  	[tilespmem:s25], [sflag:$0x2] =	stream.indirect_vreg.gather [hbm4b:s1+s3], $0x80, v3, vm0, $0xb8;
	[tilespmem:$0x18600] =	vst v63  }
0x2a6: {  	s25 =	simm.s32 $0xB200  }
0x2a7: {  	[tilespmem:s25], [sflag:$0x2] =	stream.indirect_vreg.gather [hbm4b:s6+s3], $0x80, v3, vm0, $0xb8;
	[tilespmem:$0x18600] =	vst v63  }
0x2a8: {  	s25 =	simm.s32 $0xBA00  }
0x2a9: {  	[tilespmem:s25], [sflag:$0x2] =	stream.indirect_vreg.gather [hbm4b:s7+s3], $0x80, v3, vm0, $0xb8;
	[tilespmem:$0x18600] =	vst v63  }
0x2aa: {  	_ =	swait.ge [sflag:s20], $0x6000  }
0x2ab: {  	[sflag:s20] =	ssyncset.done $0x0  }
0x2ac: {  	s25 =	rddreg [dreg:$0x18];
	[sflag:s20] =	ssyncadd.s32 $0xFFFFA000  }
0x2ad: {  	[hbm4b:s25+s3] =	stream.linear.scatter [tilespmem:s0], [sflag:$0x8], $0x6000, $0x38;
	[tilespmem:$0x18600] =	vst v63  }
0x2ae: {  	_ =	swait.ge [sflag:s21], $0x6000  }
0x2af: {  	[sflag:s21] =	ssyncset.done $0x0  }
0x2b0: {  	[sflag:s21] =	ssyncadd.s32 $0xFFFFA000  }
0x2b1: {  	v3 =	vld [tilespmem:$0x1C0];
	_ =	sdelay $0x4  }
0x2b2: {  	v60 =	vshrl.u32 v3, $0x3  }
0x2b3: {  	v4 =	vmul.u32 $0x30, v60  }
0x2b4: {  	v3 =	vand.u32 $0x7, v3  }
0x2b5: {  	v3 =	vor.u32 v3, v4  }
0x2b6: {  	v4 =	vperm.xlane v3, v0;
	_ =	sdelay $0x1  }
0x2b7: {  	v4 =	vadd.s32 v1, v4;
	_ =	sdelay $0x3  }
0x2b8: {  	v3 =	vperm.xlane v3, v2  }
0x2b9: {  	[tilespmem:s26], [sflag:$0x3] =	stream.indirect_vreg.gather [hbm4b:s1+s3], $0x80, v4, vm0, $0xb8;
	[tilespmem:$0x18600] =	vst v63  }
0x2ba: {  	s25 =	simm.s32 $0xCA00;
	v3 =	vadd.s32 v1, v3  }
0x2bb: {  	[tilespmem:s25], [sflag:$0x3] =	stream.indirect_vreg.gather [hbm4b:s6+s3], $0x80, v4, vm0, $0xb8;
	[tilespmem:$0x18600] =	vst v63  }
0x2bc: {  	s25 =	simm.s32 $0xD200  }
0x2bd: {  	[tilespmem:s25], [sflag:$0x3] =	stream.indirect_vreg.gather [hbm4b:s7+s3], $0x80, v4, vm0, $0xb8;
	[tilespmem:$0x18600] =	vst v63  }
0x2be: {  	s4 =	simm.s32 $0xDA00  }
0x2bf: {  	[tilespmem:s4], [sflag:$0x3] =	stream.indirect_vreg.gather [hbm4b:s1+s3], $0x80, v3, vm0, $0xb8;
	[tilespmem:$0x18600] =	vst v63  }
0x2c0: {  	s22 =	simm.s32 $0xE200  }
0x2c1: {  	[tilespmem:s22], [sflag:$0x3] =	stream.indirect_vreg.gather [hbm4b:s6+s3], $0x80, v3, vm0, $0xb8;
	[tilespmem:$0x18600] =	vst v63  }
0x2c2: {  	s25 =	simm.s32 $0xEA00  }
0x2c3: {  	[tilespmem:s25], [sflag:$0x3] =	stream.indirect_vreg.gather [hbm4b:s7+s3], $0x80, v3, vm0, $0xb8;
	[tilespmem:$0x18600] =	vst v63  }
0x2c4: {  	v3 =	vld [tilespmem:$0x1D0];
	_ =	sdelay $0x4  }
0x2c5: {  	v61 =	vshrl.u32 v3, $0x3  }
0x2c6: {  	v4 =	vmul.u32 $0x30, v61  }
0x2c7: {  	v3 =	vand.u32 $0x7, v3  }
0x2c8: {  	v3 =	vor.u32 v3, v4  }
0x2c9: {  	v4 =	vperm.xlane v3, v0;
	_ =	sdelay $0x1  }
0x2ca: {  	v4 =	vadd.s32 v1, v4;
	_ =	sdelay $0x3  }
0x2cb: {  	s22 =	simm.s32 $0xF200;
	v3 =	vperm.xlane v3, v2  }
0x2cc: {  	[tilespmem:s22], [sflag:$0x3] =	stream.indirect_vreg.gather [hbm4b:s1+s3], $0x80, v4, vm0, $0xb8;
	[tilespmem:$0x18600] =	vst v63  }
0x2cd: {  	s25 =	simm.s32 $0xFA00;
	v3 =	vadd.s32 v1, v3  }
0x2ce: {  	[tilespmem:s25], [sflag:$0x3] =	stream.indirect_vreg.gather [hbm4b:s6+s3], $0x80, v4, vm0, $0xb8;
	[tilespmem:$0x18600] =	vst v63  }
0x2cf: {  	s22 =	simm.s32 $0x10200  }
0x2d0: {  	[tilespmem:s22], [sflag:$0x3] =	stream.indirect_vreg.gather [hbm4b:s7+s3], $0x80, v4, vm0, $0xb8;
	[tilespmem:$0x18600] =	vst v63  }
0x2d1: {  	s25 =	simm.s32 $0x10A00  }
0x2d2: {  	[tilespmem:s25], [sflag:$0x3] =	stream.indirect_vreg.gather [hbm4b:s1+s3], $0x80, v3, vm0, $0xb8;
	[tilespmem:$0x18600] =	vst v63  }
0x2d3: {  	s30 =	simm.s32 $0x11200  }
0x2d4: {  	[tilespmem:s30], [sflag:$0x3] =	stream.indirect_vreg.gather [hbm4b:s6+s3], $0x80, v3, vm0, $0xb8;
	[tilespmem:$0x18600] =	vst v63  }
0x2d5: {  	s30 =	simm.s32 $0x11A00  }
0x2d6: {  	[tilespmem:s30], [sflag:$0x3] =	stream.indirect_vreg.gather [hbm4b:s7+s3], $0x80, v3, vm0, $0xb8;
	[tilespmem:$0x18600] =	vst v63  }
0x2d7: {  	_ =	swait.ge [sflag:s31], $0x6000  }
0x2d8: {  	[sflag:s31] =	ssyncset.done $0x0  }
0x2d9: {  	s29 =	simm.s32 $0x200;
	s22 =	rddreg [dreg:$0x19];
	[sflag:s31] =	ssyncadd.s32 $0xFFFFA000  }
0x2da: {  	[hbm4b:s22+s3] =	stream.linear.scatter [tilespmem:s29], [sflag:$0x5], $0x6000, $0x38;
	[tilespmem:$0x18600] =	vst v63  }
0x2db: {  	_ =	swait.ge [sflag:s24], $0x6000  }
0x2dc: {  	[sflag:s24] =	ssyncset.done $0x0  }
0x2dd: {  	[sflag:s24] =	ssyncadd.s32 $0xFFFFA000  }
0x2de: {  	v3 =	vld [tilespmem:$0x1E0];
	_ =	sdelay $0x4  }
0x2df: {  	v62 =	vshrl.u32 v3, $0x3  }
0x2e0: {  	v4 =	vmul.u32 $0x30, v62  }
0x2e1: {  	v3 =	vand.u32 $0x7, v3  }
0x2e2: {  	v3 =	vor.u32 v3, v4  }
0x2e3: {  	v4 =	vperm.xlane v3, v0;
	_ =	sdelay $0x1  }
0x2e4: {  	v4 =	vadd.s32 v1, v4;
	_ =	sdelay $0x3  }
0x2e5: {  	v3 =	vperm.xlane v3, v2  }
0x2e6: {  	[tilespmem:s0], [sflag:$0x4] =	stream.indirect_vreg.gather [hbm4b:s1+s3], $0x80, v4, vm0, $0xb8;
	[tilespmem:$0x18600] =	vst v63  }
0x2e7: {  	s30 =	simm.s32 $0x12A00;
	v3 =	vadd.s32 v1, v3  }
0x2e8: {  	[tilespmem:s30], [sflag:$0x4] =	stream.indirect_vreg.gather [hbm4b:s6+s3], $0x80, v4, vm0, $0xb8;
	[tilespmem:$0x18600] =	vst v63  }
0x2e9: {  	s2 =	simm.s32 $0x13200  }
0x2ea: {  	[tilespmem:s2], [sflag:$0x4] =	stream.indirect_vreg.gather [hbm4b:s7+s3], $0x80, v4, vm0, $0xb8;
	[tilespmem:$0x18600] =	vst v63  }
0x2eb: {  	s5 =	simm.s32 $0x13A00  }
0x2ec: {  	[tilespmem:s5], [sflag:$0x4] =	stream.indirect_vreg.gather [hbm4b:s1+s3], $0x80, v3, vm0, $0xb8;
	[tilespmem:$0x18600] =	vst v63  }
0x2ed: {  	s10 =	simm.s32 $0x14200  }
0x2ee: {  	[tilespmem:s10], [sflag:$0x4] =	stream.indirect_vreg.gather [hbm4b:s6+s3], $0x80, v3, vm0, $0xb8;
	[tilespmem:$0x18600] =	vst v63  }
0x2ef: {  	s22 =	simm.s32 $0x14A00  }
0x2f0: {  	[tilespmem:s22], [sflag:$0x4] =	stream.indirect_vreg.gather [hbm4b:s7+s3], $0x80, v3, vm0, $0xb8;
	[tilespmem:$0x18600] =	vst v63  }
0x2f1: {  	v3 =	vld [tilespmem:$0x1F0];
	_ =	sdelay $0x4  }
0x2f2: {  	v63 =	vshrl.u32 v3, $0x3  }
0x2f3: {  	v4 =	vmul.u32 $0x30, v63  }
0x2f4: {  	v3 =	vand.u32 $0x7, v3  }
0x2f5: {  	v3 =	vor.u32 v3, v4  }
0x2f6: {  	v4 =	vperm.xlane v3, v0;
	_ =	sdelay $0x1  }
0x2f7: {  	v4 =	vadd.s32 v1, v4;
	_ =	sdelay $0x3  }
0x2f8: {  	s23 =	simm.s32 $0x15200;
	v3 =	vperm.xlane v3, v2  }
0x2f9: {  	[tilespmem:s23], [sflag:$0x4] =	stream.indirect_vreg.gather [hbm4b:s1+s3], $0x80, v4, vm0, $0xb8;
	[tilespmem:$0x18600] =	vst v63  }
0x2fa: {  	s11 =	simm.s32 $0x15A00;
	v3 =	vadd.s32 v1, v3  }
0x2fb: {  	[tilespmem:s11], [sflag:$0x4] =	stream.indirect_vreg.gather [hbm4b:s6+s3], $0x80, v4, vm0, $0xb8;
	[tilespmem:$0x18600] =	vst v63  }
0x2fc: {  	s12 =	simm.s32 $0x16200  }
0x2fd: {  	[tilespmem:s12], [sflag:$0x4] =	stream.indirect_vreg.gather [hbm4b:s7+s3], $0x80, v4, vm0, $0xb8;
	[tilespmem:$0x18600] =	vst v63  }
0x2fe: {  	s13 =	simm.s32 $0x16A00  }
0x2ff: {  	[tilespmem:s13], [sflag:$0x4] =	stream.indirect_vreg.gather [hbm4b:s1+s3], $0x80, v3, vm0, $0xb8;
	[tilespmem:$0x18600] =	vst v63  }
0x300: {  	s14 =	simm.s32 $0x17200  }
0x301: {  	[tilespmem:s14], [sflag:$0x4] =	stream.indirect_vreg.gather [hbm4b:s6+s3], $0x80, v3, vm0, $0xb8;
	[tilespmem:$0x18600] =	vst v63  }
0x302: {  	s15 =	simm.s32 $0x17A00  }
0x303: {  	[tilespmem:s15], [sflag:$0x4] =	stream.indirect_vreg.gather [hbm4b:s7+s3], $0x80, v3, vm0, $0xb8;
	[tilespmem:$0x18600] =	vst v63  }
0x304: {  	_ =	swait.ge [sflag:s16], $0x6000  }
0x305: {  	[sflag:s16] =	ssyncset.done $0x0  }
0x306: {  	s28 =	simm.s32 $0x6200;
	s23 =	rddreg [dreg:$0x1a];
	[sflag:s16] =	ssyncadd.s32 $0xFFFFA000  }
0x307: {  	[hbm4b:s23+s3] =	stream.linear.scatter [tilespmem:s28], [sflag:$0x6], $0x6000, $0x38;
	[tilespmem:$0x18600] =	vst v63  }
0x308: {  	_ =	swait.ge [sflag:s18], $0x6000  }
0x309: {  	[sflag:s18] =	ssyncset.done $0x0  }
0x30a: {  	s26 =	simm.s32 $0xC200;
	s29 =	rddreg [dreg:$0x1b];
	[sflag:s18] =	ssyncadd.s32 $0xFFFFA000  }
0x30b: {  	[hbm4b:s29+s3] =	stream.linear.scatter [tilespmem:s26], [sflag:$0x7], $0x6000, $0x38;
	[tilespmem:$0x18600] =	vst v63  }
0x30c: {  	_ =	swait.ge [sflag:s20], $0x6000  }
0x30d: {  	[sflag:s20] =	ssyncset.done $0x0  }
0x30e: {  	s30 =	rddreg [dreg:$0x1c];
	[sflag:s20] =	ssyncadd.s32 $0xFFFFA000  }
0x30f: {  	[hbm4b:s30+s3] =	stream.linear.scatter [tilespmem:s0], [sflag:$0x8], $0x6000, $0x38;
	[tilespmem:$0x18600] =	vst v63  }
0x310: {  	_ =	swait.ge [sflag:s17], $0x6000  }
0x311: {  	[sflag:s17] =	ssyncset.done $0x0  }
0x312: {  	[sflag:s17] =	ssyncadd.s32 $0xFFFFA000  }
0x313: {  	_ =	swait.ge [sflag:s19], $0x6000  }
0x314: {  	[sflag:s19] =	ssyncset.done $0x0  }
0x315: {  	[sflag:s19] =	ssyncadd.s32 $0xFFFFA000  }
0x316: {  	p0 =	sne.s32 s8, $0x1;
	_ =	swait.ge [sflag:s21], $0x6000  }
.Ltmp0:
0x317: {  	[sflag:s21] =	ssyncset.done $0x0;
	(pc) =	sbr.rel @p0 .LBB2_1-.Ltmp0, $4  }
0x318: {  	[sflag:s21] =	ssyncadd.s32 $0xFFFFA000  }
0x319: {  	_ =	swait.ge [sflag:s24], $0x6000  }
0x31a: {  	[sflag:s24] =	ssyncset.done $0x0  }
0x31b: {  	s8 =	sadd.s32 $0xFFFFFFFF, s8;
	[sflag:s24] =	ssyncadd.s32 $0xFFFFA000  }
0x31c: {  	_ =	sfence.sel $0x180000  }
0x31d: {  	[bflag:$0x0] =	sbarrier.arrive $0xFFFF  }
0x31e: {  	_ =	strace $0x90000047  }
0x31f: {  	s0 =	stileid.u32;
	[bflag:$0x2] =	sbarrier.arrive $0xFFFF  }
0x320: {  	p0 =	sne.s32 s0, $0x0;
	s0 =	rddreg [dreg:$0x5]  }
0x321: {  	s0 =	sadd.s32 @!p0 $0x100000, s0  }
0x322: {  	[sflag:s0] =	ssyncadd.tile.s32 @!p0 $0x1;
	_ =	shalt  }
.Lfunc_end2:
_tile_overlayer_lowered:
.L_overlay_start_2:
0x323: {  	(tag) =	ssettag $0x2  }
0x324: {  	s0 =	rddreg [dreg:$0x0];
	s2 =	stileid.u32  }
0x325: {  	s1 =	rddreg [dreg:$0x1];
	p0 =	sne.s32 s2, $0x0  }
0x326: {  	s3 =	rddreg [dreg:$0x2];
	[bflag:$0x3] =	sbarrier.arrive $0xFFFF;
	s2 =	simm.s32 @!p0 $0x1C09  }
0x327: {  	[timem:s3], [sflag:s2] =	dma.local @!p0 [hbm:s0], s1  }
0x328: {  	s0 =	simm.s32 @!p0 $0x9  }
0x329: {  	_ =	swait.ge @!p0 [sflag:s0], s1  }
0x32a: {  	s1 =	ssub.s32 @!p0 $0x0, s1;
	[sflag:s0] =	ssyncset.done @!p0 $0x0  }
0x32b: {  	[sflag:s0] =	ssyncadd.s32 @!p0 s1  }
0x32c: {  	[bflag:$0x3] =	sbarrier.arrive $0xFFFF  }
0x32d: {  	_ =	shalt  }

</sc_bundles>
